<compile_context>
chip_gen: v7x
topology: tpu7x:2x2x1
jax: 0.10.2.dev20260603
libtpu: 0.0.44.dev20260713+nightly
codegen_flags: <defaults>
</compile_context>

<pallas_src>
import functools

import jax
import jax.numpy as jnp
from jax import lax
from jax.experimental import pallas as pl
from jax.experimental.pallas import tpu as pltpu
from jax.experimental.pallas import tpu_sc as plsc

N_NODES = 10000
D = 128
N_EDGES = 320000

NC = 2
NS = 16
NW = NC * NS
CH = 128
L = 16

NPAD = 10240
ROWS_PER_TILE = NPAD // NS
ZCH = 128

NBUF = 1
EPW_CH = NBUF * (-(-N_EDGES // (NW * CH * NBUF)))
EPW = EPW_CH * CH
EPAD = EPW * NW


def _sc_body(eidx_hbm, x_hbm, zrow_hbm, iota_hbm, acc_out, cnt_out,
             srcv, dstv, idxb, rows, cntloc, acc_sh,
             sem, semi, semg, sems):
    cid = lax.axis_index("c")
    sid = lax.axis_index("s")
    wid = sid * NC + cid

    zero16 = jnp.zeros((L,), jnp.float32)

    def _zero_cnt(i, _):
        cntloc[pl.ds(i * L, L)] = zero16
        return _

    lax.fori_loop(0, NPAD // L, _zero_cnt, None)

    rbase = sid * ROWS_PER_TILE
    pltpu.sync_copy(zrow_hbm, rows.at[0])
    for t in range(ROWS_PER_TILE // ZCH):
        pltpu.sync_copy(iota_hbm.at[pl.ds(rbase + t * ZCH, ZCH)], dstv.at[0])
        pltpu.sync_copy(rows.at[0], acc_sh.at[dstv.at[0]])

    plsc.subcore_barrier()

    cbase = wid * EPW_CH
    ones16 = jnp.ones((L,), jnp.float32)

    def _group(g, _):
        c0 = pl.multiple_of((cbase + g * NBUF) * 2, 2 * NBUF)
        di = [pltpu.async_copy(eidx_hbm.at[pl.ds(c0 + 2 * b, 2)], idxb.at[b],
                               semi[b]) for b in range(NBUF)]
        dg = []
        for b in range(NBUF):
            di[b].wait()
            dg.append(pltpu.async_copy(x_hbm.at[idxb.at[b, 0]], rows.at[b],
                                       semg[b]))
            for q in range(CH // L):
                d = idxb[b, 1, pl.ds(q * L, L)]
                plsc.addupdate_scatter(cntloc, [d], ones16)
        ds_ = []
        for b in range(NBUF):
            dg[b].wait()
            ds_.append(pltpu.async_copy(rows.at[b], acc_sh.at[idxb.at[b, 1]],
                                        sems[b], add=True))
        for b in range(NBUF):
            ds_[b].wait()
        return _

    lax.fori_loop(0, EPW_CH // NBUF, _group, None)

    plsc.subcore_barrier()

    pltpu.sync_copy(cntloc, cnt_out.at[pl.ds(wid * NPAD, NPAD)])
    obase = cid * NPAD + rbase
    for t in range(ROWS_PER_TILE // ZCH):
        pltpu.sync_copy(iota_hbm.at[pl.ds(rbase + t * ZCH, ZCH)], srcv)
        pltpu.async_copy(acc_sh.at[srcv], rows.at[0], sem).wait()
        pltpu.sync_copy(rows.at[0], acc_out.at[pl.ds(obase + t * ZCH, ZCH)])


_sc_aggregate = functools.partial(
    pl.kernel,
    out_type=(
        jax.ShapeDtypeStruct((NC * NPAD, D), jnp.float32),
        jax.ShapeDtypeStruct((NW * NPAD,), jnp.float32),
    ),
    mesh=plsc.VectorSubcoreMesh(core_axis_name="c", subcore_axis_name="s"),
    compiler_params=pltpu.CompilerParams(needs_layout_passes=False),
    scratch_types=[
        pltpu.VMEM((CH,), jnp.int32),
        pltpu.VMEM((1, CH), jnp.int32),
        pltpu.VMEM((NBUF, 2, CH), jnp.int32),
        pltpu.VMEM((NBUF, CH, D), jnp.float32),
        pltpu.VMEM((NPAD,), jnp.float32),
        pltpu.VMEM_SHARED((NPAD, D), jnp.float32),
        pltpu.SemaphoreType.DMA,
        [pltpu.SemaphoreType.DMA] * NBUF,
        [pltpu.SemaphoreType.DMA] * NBUF,
        [pltpu.SemaphoreType.DMA] * NBUF,
    ],
)(_sc_body)


def _tc_body(x_ref, a0_ref, a1_ref, c_ref,
             w1_ref, w2_ref, b_ref, wp_ref, bp_ref, out_ref):
    a = a0_ref[...] + a1_ref[...]
    csum = jnp.sum(c_ref[...], axis=1)
    cnt = jnp.maximum(csum, 1.0)[:, None]
    mean = a / cnt
    h = jnp.dot(x_ref[...], w1_ref[...], preferred_element_type=jnp.float32)
    h = h + jnp.dot(mean, w2_ref[...], preferred_element_type=jnp.float32)
    h = jnp.maximum(h + b_ref[...], 0.0)
    p = jnp.dot(h, wp_ref[...], preferred_element_type=jnp.float32)
    out_ref[...] = jnp.maximum(p + bp_ref[...], 0.0)


def kernel(x, edge_index, W_sage, b_sage, W_proj, b_proj):
    ei = edge_index.astype(jnp.int32)
    npad = EPAD - N_EDGES
    src = jnp.concatenate([ei[0], jnp.zeros((npad,), jnp.int32)])
    dst = jnp.concatenate([ei[1], jnp.full((npad,), N_NODES, jnp.int32)])
    eidx = jnp.stack([src.reshape(-1, CH), dst.reshape(-1, CH)],
                     axis=1).reshape(-1, CH)

    zrow = jnp.zeros((ZCH, D), jnp.float32)
    iota = jnp.arange(NPAD, dtype=jnp.int32)

    acc, cnt = _sc_aggregate(eidx, x, zrow, iota)
    cnt = cnt.reshape(NW, NPAD).T

    R = 1000
    grid = (N_NODES // R,)
    row_spec = pl.BlockSpec((R, D), lambda i: (i, 0))
    cnt_spec = pl.BlockSpec((R, NW), lambda i: (i, 0))

    def w_spec(r, c_):
        return pl.BlockSpec((r, c_), lambda i: (0, 0))

    out = pl.pallas_call(
        _tc_body,
        grid=grid,
        in_specs=[
            row_spec, row_spec, row_spec, cnt_spec,
            w_spec(D, D), w_spec(D, D), w_spec(1, D), w_spec(D, 1), w_spec(1, 1),
        ],
        out_specs=pl.BlockSpec((R, 1), lambda i: (i, 0)),
        out_shape=jax.ShapeDtypeStruct((N_NODES, 1), jnp.float32),
    )(
        x, acc[:N_NODES], acc[NPAD:NPAD + N_NODES], cnt[:N_NODES],
        W_sage[:D], W_sage[D:], b_sage.reshape(1, D),
        W_proj, b_proj.reshape(1, 1),
    )
    return out

# --- scband reference (transcript-rebuilt; emitter-appended) ---
"""Pipeline reference for scband-cell-pool-4234837754503 (READ-ONLY COPY).

The authoritative reference and input builder live on the scoring server;
editing this copy changes nothing except your own understanding.
"""

import jax, jax.numpy as jnp
import numpy as np

IN_FEAT = 128
OUT_FEAT = 128
N_NODES = 10000
N_EDGES = 320000

def setup_inputs(seed: int = 0) -> dict:
    key = jax.random.key(seed)
    k1, k2, k3, k4, k5 = jax.random.split(key, 5)
    x = jax.random.normal(k1, (N_NODES, IN_FEAT), dtype=jnp.float32)
    edge_index = jax.random.randint(k2, (2, N_EDGES), 0, N_NODES, dtype=jnp.int64)
    # GraphSAGE-style layer: concat(self, mean_neighbors) -> linear(2*in_feat -> out_feat)
    W_sage = jax.random.normal(k3, (2 * IN_FEAT, OUT_FEAT), dtype=jnp.float32) * (1.0 / np.sqrt(2 * IN_FEAT))
    b_sage = jnp.zeros((OUT_FEAT,), dtype=jnp.float32)
    # projection head: Linear(out_feat, 1) followed by ReLU (activate='relu')
    W_proj = jax.random.normal(k4, (OUT_FEAT, 1), dtype=jnp.float32) * (1.0 / np.sqrt(OUT_FEAT))
    b_proj = jnp.zeros((1,), dtype=jnp.float32)
    return {"x": x, "edge_index": edge_index, "W_sage": W_sage, "b_sage": b_sage, "W_proj": W_proj, "b_proj": b_proj}

def reference(x, edge_index, W_sage, b_sage, W_proj, b_proj):
    n = x.shape[0]
    src = edge_index[0]
    dst = edge_index[1]
    # gather source-node features along edges (memory-bound gather)
    msgs = jnp.take(x, src, axis=0)
    # mean aggregation at destination nodes (scatter-add + count)
    agg = jax.ops.segment_sum(msgs, dst, num_segments=n)
    cnt = jax.ops.segment_sum(jnp.ones((msgs.shape[0],), dtype=x.dtype), dst, num_segments=n)
    mean_nb = agg / jnp.maximum(cnt, 1.0)[:, None]
    # SAGE update: concat self + neighborhood mean, linear, activation
    h = jnp.concatenate([x, mean_nb], axis=-1) @ W_sage + b_sage
    h = jax.nn.relu(h)
    # projection head (nn.Linear(out_feat, 1) + ReLU)
    pred = h @ W_proj + b_proj
    pred = jax.nn.relu(pred)
    return pred

if __name__ == "__main__":
    import jax
    _d = setup_inputs()
    print(jax.jit(kernel)(*tuple(_d.values())))

</pallas_src>

<mosaic_0001>
#map = affine_map<(d0, d1) -> (0, 0)>
#map1 = affine_map<(d0, d1) -> (0)>
module attributes {stable_mosaic.version = 14 : i64} {
  func.func @_sc_body(%arg0: i32, %arg1: i32, %arg2: memref<5056x128xi32, #tpu.memory_space<hbm>>, %arg3: memref<10000x128xf32, #tpu.memory_space<hbm>>, %arg4: memref<128x128xf32, #tpu.memory_space<hbm>>, %arg5: memref<10240xi32, #tpu.memory_space<hbm>>, %arg6: memref<20480x128xf32, #tpu.memory_space<hbm>>, %arg7: memref<327680xf32, #tpu.memory_space<hbm>>, %arg8: memref<128xi32, #tpu.memory_space<vmem>>, %arg9: memref<1x128xi32, #tpu.memory_space<vmem>>, %arg10: memref<1x2x128xi32, #tpu.memory_space<vmem>>, %arg11: memref<1x128x128xf32, #tpu.memory_space<vmem>>, %arg12: memref<10240xf32, #tpu.memory_space<vmem>>, %arg13: memref<10240x128xf32, #tpu.memory_space<vmem_shared>>, %arg14: memref<!tpu.dma_semaphore, #tpu.memory_space<semaphore_mem>>, %arg15: memref<!tpu.dma_semaphore, #tpu.memory_space<semaphore_mem>>, %arg16: memref<!tpu.dma_semaphore, #tpu.memory_space<semaphore_mem>>, %arg17: memref<!tpu.dma_semaphore, #tpu.memory_space<semaphore_mem>>) attributes {dimension_semantics = [#tpu.dimension_semantics<core_parallel>, #tpu.dimension_semantics<subcore_parallel>], iteration_bounds = array<i64: 2, 16>, scalar_prefetch = 0 : i64, scratch_operands = 10 : i64, tpu.core_type = #tpu.core_type<sc_vector_subcore>, window_params = [{transform_indices = #map}, {transform_indices = #map}, {transform_indices = #map}, {transform_indices = #map1}, {transform_indices = #map}, {transform_indices = #map1}]} {
    %mul3A = arith.constant 2 : i32
    %mul3A_0 = arith.muli %arg1, %mul3A : i32
    %add3A = arith.addi %mul3A_0, %arg0 : i32
    %broadcast_in_dim3A = arith.constant 0.000000e+00 : f32
    %broadcast_in_dim3A_1 = vector.broadcast %broadcast_in_dim3A : f32 to vector<16xf32>
    %scan3A = arith.constant 0 : i32
    %scan3A_2 = arith.constant 640 : i32
    %scan3A_3 = arith.addi %scan3A, %scan3A_2 : i32
    %scan3A_4 = arith.constant 1 : i32
    scf.for %scan3A_151 = %scan3A to %scan3A_3 step %scan3A_4  : i32 {
      %mul3A_152 = arith.constant 16 : i32
      %mul3A_153 = arith.muli %scan3A_151, %mul3A_152 : i32
      %swap3A = arith.index_cast %mul3A_153 : i32 to index
      %swap3A_154 = tpu.vector_load %arg12[%swap3A] {strides = array<i32>} : memref<10240xf32, #tpu.memory_space<vmem>>, vector<16xf32>,
      tpu.vector_store %arg12[%swap3A], %broadcast_in_dim3A_1 {strides = array<i32>} : memref<10240xf32, #tpu.memory_space<vmem>>, vector<16xf32>,
    }
    %scan3A_5 = arith.constant 640 : i32
    %mul3A_6 = arith.constant 640 : i32
    %mul3A_7 = arith.muli %arg1, %mul3A_6 : i32
    %run_scoped3A = arith.constant 0 : i32
    "tpu.region"() ({
      %run_scoped3A_151 = tpu.sem_alloc : memref<!tpu.dma_semaphore, #tpu.memory_space<semaphore_mem>>
      %dma_start3A_152 = arith.constant 0 : i32
      %dma_start3A_153 = arith.constant 0 : i32
      %dma_start3A_154 = tpu.memref_slice %arg11[%run_scoped3A, %dma_start3A_152, %dma_start3A_153] : memref<1x128x128xf32, #tpu.memory_space<vmem>> -> memref<1x128x128xf32, #tpu.memory_space<vmem>>
      %dma_start3A_155 = tpu.memref_squeeze %dma_start3A_154 : memref<1x128x128xf32, #tpu.memory_space<vmem>> -> memref<128x128xf32, #tpu.memory_space<vmem>>
      %dma_start3A_156 = arith.constant 0 : i32
      %dma_start3A_157 = arith.constant 0 : i32
      %dma_start3A_158 = tpu.memref_slice %arg11[%run_scoped3A, %dma_start3A_156, %dma_start3A_157] : memref<1x128x128xf32, #tpu.memory_space<vmem>> -> memref<1x128x128xf32, #tpu.memory_space<vmem>>
      %dma_start3A_159 = tpu.memref_squeeze %dma_start3A_158 : memref<1x128x128xf32, #tpu.memory_space<vmem>> -> memref<128x128xf32, #tpu.memory_space<vmem>>
      tpu.enqueue_dma source(%arg4 : memref<128x128xf32, #tpu.memory_space<hbm>>) target(%dma_start3A_159 : memref<128x128xf32, #tpu.memory_space<vmem>>) target_semaphore(%run_scoped3A_151 : memref<!tpu.dma_semaphore, #tpu.memory_space<semaphore_mem>>)
      %dma_wait3A_160 = arith.constant 0 : i32
      %dma_wait3A_161 = arith.constant 0 : i32
      %dma_wait3A_162 = tpu.memref_slice %arg11[%run_scoped3A, %dma_wait3A_160, %dma_wait3A_161] : memref<1x128x128xf32, #tpu.memory_space<vmem>> -> memref<1x128x128xf32, #tpu.memory_space<vmem>>
      %dma_wait3A_163 = tpu.memref_squeeze %dma_wait3A_162 : memref<1x128x128xf32, #tpu.memory_space<vmem>> -> memref<128x128xf32, #tpu.memory_space<vmem>>
      %dma_wait3A_164 = arith.constant 0 : i32
      %dma_wait3A_165 = arith.constant 0 : i32
      %dma_wait3A_166 = tpu.memref_slice %arg11[%run_scoped3A, %dma_wait3A_164, %dma_wait3A_165] : memref<1x128x128xf32, #tpu.memory_space<vmem>> -> memref<1x128x128xf32, #tpu.memory_space<vmem>>
      %dma_wait3A_167 = tpu.memref_squeeze %dma_wait3A_166 : memref<1x128x128xf32, #tpu.memory_space<vmem>> -> memref<128x128xf32, #tpu.memory_space<vmem>>
      tpu.wait_dma2 semaphore(%run_scoped3A_151 : memref<!tpu.dma_semaphore, #tpu.memory_space<semaphore_mem>>) src(%arg4 : memref<128x128xf32, #tpu.memory_space<hbm>>) dst(%dma_wait3A_167 : memref<128x128xf32, #tpu.memory_space<vmem>>)
      tpu.yield
    }) : () -> ()
    %add3A_8 = arith.constant 0 : i32
    %add3A_9 = arith.addi %mul3A_7, %add3A_8 : i32
    %run_scoped3A_10 = arith.constant 0 : i32
    "tpu.region"() ({
      %run_scoped3A_151 = tpu.sem_alloc : memref<!tpu.dma_semaphore, #tpu.memory_space<semaphore_mem>>
      %dma_start3A_152 = arith.constant 0 : i32
      %dma_start3A_153 = tpu.memref_slice %arg9[%run_scoped3A_10, %dma_start3A_152] : memref<1x128xi32, #tpu.memory_space<vmem>> -> memref<1x128xi32, #tpu.memory_space<vmem>>
      %dma_start3A_154 = tpu.memref_squeeze %dma_start3A_153 : memref<1x128xi32, #tpu.memory_space<vmem>> -> memref<128xi32, #tpu.memory_space<vmem>>
      %dma_start3A_155 = tpu.memref_slice %arg5[%add3A_9] : memref<10240xi32, #tpu.memory_space<hbm>> -> memref<128xi32, #tpu.memory_space<hbm>>
      %dma_start3A_156 = arith.constant 0 : i32
      %dma_start3A_157 = tpu.memref_slice %arg9[%run_scoped3A_10, %dma_start3A_156] : memref<1x128xi32, #tpu.memory_space<vmem>> -> memref<1x128xi32, #tpu.memory_space<vmem>>
      %dma_start3A_158 = tpu.memref_squeeze %dma_start3A_157 : memref<1x128xi32, #tpu.memory_space<vmem>> -> memref<128xi32, #tpu.memory_space<vmem>>
      %dma_start3A_159 = tpu.memref_slice %arg5[%add3A_9] : memref<10240xi32, #tpu.memory_space<hbm>> -> memref<128xi32, #tpu.memory_space<hbm>>
      tpu.enqueue_dma source(%dma_start3A_159 : memref<128xi32, #tpu.memory_space<hbm>>) target(%dma_start3A_158 : memref<128xi32, #tpu.memory_space<vmem>>) target_semaphore(%run_scoped3A_151 : memref<!tpu.dma_semaphore, #tpu.memory_space<semaphore_mem>>)
      %dma_wait3A_160 = arith.constant 0 : i32
      %dma_wait3A_161 = tpu.memref_slice %arg9[%run_scoped3A_10, %dma_wait3A_160] : memref<1x128xi32, #tpu.memory_space<vmem>> -> memref<1x128xi32, #tpu.memory_space<vmem>>
      %dma_wait3A_162 = tpu.memref_squeeze %dma_wait3A_161 : memref<1x128xi32, #tpu.memory_space<vmem>> -> memref<128xi32, #tpu.memory_space<vmem>>
      %dma_wait3A_163 = tpu.memref_slice %arg5[%add3A_9] : memref<10240xi32, #tpu.memory_space<hbm>> -> memref<128xi32, #tpu.memory_space<hbm>>
      %dma_wait3A_164 = arith.constant 0 : i32
      %dma_wait3A_165 = tpu.memref_slice %arg9[%run_scoped3A_10, %dma_wait3A_164] : memref<1x128xi32, #tpu.memory_space<vmem>> -> memref<1x128xi32, #tpu.memory_space<vmem>>
      %dma_wait3A_166 = tpu.memref_squeeze %dma_wait3A_165 : memref<1x128xi32, #tpu.memory_space<vmem>> -> memref<128xi32, #tpu.memory_space<vmem>>
      %dma_wait3A_167 = tpu.memref_slice %arg5[%add3A_9] : memref<10240xi32, #tpu.memory_space<hbm>> -> memref<128xi32, #tpu.memory_space<hbm>>
      tpu.wait_dma2 semaphore(%run_scoped3A_151 : memref<!tpu.dma_semaphore, #tpu.memory_space<semaphore_mem>>) src(%dma_wait3A_167 : memref<128xi32, #tpu.memory_space<hbm>>) dst(%dma_wait3A_166 : memref<128xi32, #tpu.memory_space<vmem>>)
      tpu.yield
    }) : () -> ()
    %run_scoped3A_11 = arith.constant 0 : i32
    %run_scoped3A_12 = arith.constant 0 : i32
    "tpu.region"() ({
      %run_scoped3A_151 = tpu.sem_alloc : memref<!tpu.dma_semaphore, #tpu.memory_space<semaphore_mem>>
      %dma_start3A_152 = arith.constant 0 : i32
      %dma_start3A_153 = arith.constant 0 : i32
      %dma_start3A_154 = tpu.memref_slice %arg11[%run_scoped3A_11, %dma_start3A_152, %dma_start3A_153] : memref<1x128x128xf32, #tpu.memory_space<vmem>> -> memref<1x128x128xf32, #tpu.memory_space<vmem>>
      %dma_start3A_155 = tpu.memref_squeeze %dma_start3A_154 : memref<1x128x128xf32, #tpu.memory_space<vmem>> -> memref<128x128xf32, #tpu.memory_space<vmem>>
      %dma_start3A_156 = arith.constant 0 : i32
      %dma_start3A_157 = tpu.memref_slice %arg9[%run_scoped3A_12, %dma_start3A_156] : memref<1x128xi32, #tpu.memory_space<vmem>> -> memref<1x128xi32, #tpu.memory_space<vmem>>
      %dma_start3A_158 = tpu.memref_squeeze %dma_start3A_157 : memref<1x128xi32, #tpu.memory_space<vmem>> -> memref<128xi32, #tpu.memory_space<vmem>>
      %dma_start3A_159 = arith.constant 0 : i32
      %dma_start3A_160 = arith.constant 0 : i32
      %dma_start3A_161 = tpu.memref_slice %arg13[%dma_start3A_159, %dma_start3A_160] : memref<10240x128xf32, #tpu.memory_space<vmem_shared>> -> memref<10240x128xf32, #tpu.memory_space<vmem_shared>>
      tpu.enqueue_indirect_dma source(%dma_start3A_155 : memref<128x128xf32, #tpu.memory_space<vmem>>) target(%dma_start3A_161 : memref<10240x128xf32, #tpu.memory_space<vmem_shared>>) offsets(%dma_start3A_158 : memref<128xi32, #tpu.memory_space<vmem>>) semaphore(%run_scoped3A_151 : memref<!tpu.dma_semaphore, #tpu.memory_space<semaphore_mem>>)
      %dma_wait3A_162 = arith.constant 0 : i32
      %dma_wait3A_163 = arith.constant 0 : i32
      %dma_wait3A_164 = tpu.memref_slice %arg11[%run_scoped3A_11, %dma_wait3A_162, %dma_wait3A_163] : memref<1x128x128xf32, #tpu.memory_space<vmem>> -> memref<1x128x128xf32, #tpu.memory_space<vmem>>
      %dma_wait3A_165 = tpu.memref_squeeze %dma_wait3A_164 : memref<1x128x128xf32, #tpu.memory_space<vmem>> -> memref<128x128xf32, #tpu.memory_space<vmem>>
      %dma_wait3A_166 = arith.constant 0 : i32
      %dma_wait3A_167 = tpu.memref_slice %arg9[%run_scoped3A_12, %dma_wait3A_166] : memref<1x128xi32, #tpu.memory_space<vmem>> -> memref<1x128xi32, #tpu.memory_space<vmem>>
      %dma_wait3A_168 = tpu.memref_squeeze %dma_wait3A_167 : memref<1x128xi32, #tpu.memory_space<vmem>> -> memref<128xi32, #tpu.memory_space<vmem>>
      %dma_wait3A_169 = arith.constant 0 : i32
      %dma_wait3A_170 = arith.constant 0 : i32
      %dma_wait3A_171 = tpu.memref_slice %arg13[%dma_wait3A_169, %dma_wait3A_170] : memref<10240x128xf32, #tpu.memory_space<vmem_shared>> -> memref<10240x128xf32, #tpu.memory_space<vmem_shared>>
      tpu.wait_indirect_dma semaphore(%run_scoped3A_151 : memref<!tpu.dma_semaphore, #tpu.memory_space<semaphore_mem>>) src(%dma_wait3A_165 : memref<128x128xf32, #tpu.memory_space<vmem>>) dst(%dma_wait3A_171 : memref<10240x128xf32, #tpu.memory_space<vmem_shared>>)
      tpu.yield
    }) : () -> ()
    %add3A_13 = arith.constant 128 : i32
    %add3A_14 = arith.addi %mul3A_7, %add3A_13 : i32
    %run_scoped3A_15 = arith.constant 0 : i32
    "tpu.region"() ({
      %run_scoped3A_151 = tpu.sem_alloc : memref<!tpu.dma_semaphore, #tpu.memory_space<semaphore_mem>>
      %dma_start3A_152 = arith.constant 0 : i32
      %dma_start3A_153 = tpu.memref_slice %arg9[%run_scoped3A_15, %dma_start3A_152] : memref<1x128xi32, #tpu.memory_space<vmem>> -> memref<1x128xi32, #tpu.memory_space<vmem>>
      %dma_start3A_154 = tpu.memref_squeeze %dma_start3A_153 : memref<1x128xi32, #tpu.memory_space<vmem>> -> memref<128xi32, #tpu.memory_space<vmem>>
      %dma_start3A_155 = tpu.memref_slice %arg5[%add3A_14] : memref<10240xi32, #tpu.memory_space<hbm>> -> memref<128xi32, #tpu.memory_space<hbm>>
      %dma_start3A_156 = arith.constant 0 : i32
      %dma_start3A_157 = tpu.memref_slice %arg9[%run_scoped3A_15, %dma_start3A_156] : memref<1x128xi32, #tpu.memory_space<vmem>> -> memref<1x128xi32, #tpu.memory_space<vmem>>
      %dma_start3A_158 = tpu.memref_squeeze %dma_start3A_157 : memref<1x128xi32, #tpu.memory_space<vmem>> -> memref<128xi32, #tpu.memory_space<vmem>>
      %dma_start3A_159 = tpu.memref_slice %arg5[%add3A_14] : memref<10240xi32, #tpu.memory_space<hbm>> -> memref<128xi32, #tpu.memory_space<hbm>>
      tpu.enqueue_dma source(%dma_start3A_159 : memref<128xi32, #tpu.memory_space<hbm>>) target(%dma_start3A_158 : memref<128xi32, #tpu.memory_space<vmem>>) target_semaphore(%run_scoped3A_151 : memref<!tpu.dma_semaphore, #tpu.memory_space<semaphore_mem>>)
      %dma_wait3A_160 = arith.constant 0 : i32
      %dma_wait3A_161 = tpu.memref_slice %arg9[%run_scoped3A_15, %dma_wait3A_160] : memref<1x128xi32, #tpu.memory_space<vmem>> -> memref<1x128xi32, #tpu.memory_space<vmem>>
      %dma_wait3A_162 = tpu.memref_squeeze %dma_wait3A_161 : memref<1x128xi32, #tpu.memory_space<vmem>> -> memref<128xi32, #tpu.memory_space<vmem>>
      %dma_wait3A_163 = tpu.memref_slice %arg5[%add3A_14] : memref<10240xi32, #tpu.memory_space<hbm>> -> memref<128xi32, #tpu.memory_space<hbm>>
      %dma_wait3A_164 = arith.constant 0 : i32
      %dma_wait3A_165 = tpu.memref_slice %arg9[%run_scoped3A_15, %dma_wait3A_164] : memref<1x128xi32, #tpu.memory_space<vmem>> -> memref<1x128xi32, #tpu.memory_space<vmem>>
      %dma_wait3A_166 = tpu.memref_squeeze %dma_wait3A_165 : memref<1x128xi32, #tpu.memory_space<vmem>> -> memref<128xi32, #tpu.memory_space<vmem>>
      %dma_wait3A_167 = tpu.memref_slice %arg5[%add3A_14] : memref<10240xi32, #tpu.memory_space<hbm>> -> memref<128xi32, #tpu.memory_space<hbm>>
      tpu.wait_dma2 semaphore(%run_scoped3A_151 : memref<!tpu.dma_semaphore, #tpu.memory_space<semaphore_mem>>) src(%dma_wait3A_167 : memref<128xi32, #tpu.memory_space<hbm>>) dst(%dma_wait3A_166 : memref<128xi32, #tpu.memory_space<vmem>>)
      tpu.yield
    }) : () -> ()
    %run_scoped3A_16 = arith.constant 0 : i32
    %run_scoped3A_17 = arith.constant 0 : i32
    "tpu.region"() ({
      %run_scoped3A_151 = tpu.sem_alloc : memref<!tpu.dma_semaphore, #tpu.memory_space<semaphore_mem>>
      %dma_start3A_152 = arith.constant 0 : i32
      %dma_start3A_153 = arith.constant 0 : i32
      %dma_start3A_154 = tpu.memref_slice %arg11[%run_scoped3A_16, %dma_start3A_152, %dma_start3A_153] : memref<1x128x128xf32, #tpu.memory_space<vmem>> -> memref<1x128x128xf32, #tpu.memory_space<vmem>>
      %dma_start3A_155 = tpu.memref_squeeze %dma_start3A_154 : memref<1x128x128xf32, #tpu.memory_space<vmem>> -> memref<128x128xf32, #tpu.memory_space<vmem>>
      %dma_start3A_156 = arith.constant 0 : i32
      %dma_start3A_157 = tpu.memref_slice %arg9[%run_scoped3A_17, %dma_start3A_156] : memref<1x128xi32, #tpu.memory_space<vmem>> -> memref<1x128xi32, #tpu.memory_space<vmem>>
      %dma_start3A_158 = tpu.memref_squeeze %dma_start3A_157 : memref<1x128xi32, #tpu.memory_space<vmem>> -> memref<128xi32, #tpu.memory_space<vmem>>
      %dma_start3A_159 = arith.constant 0 : i32
      %dma_start3A_160 = arith.constant 0 : i32
      %dma_start3A_161 = tpu.memref_slice %arg13[%dma_start3A_159, %dma_start3A_160] : memref<10240x128xf32, #tpu.memory_space<vmem_shared>> -> memref<10240x128xf32, #tpu.memory_space<vmem_shared>>
      tpu.enqueue_indirect_dma source(%dma_start3A_155 : memref<128x128xf32, #tpu.memory_space<vmem>>) target(%dma_start3A_161 : memref<10240x128xf32, #tpu.memory_space<vmem_shared>>) offsets(%dma_start3A_158 : memref<128xi32, #tpu.memory_space<vmem>>) semaphore(%run_scoped3A_151 : memref<!tpu.dma_semaphore, #tpu.memory_space<semaphore_mem>>)
      %dma_wait3A_162 = arith.constant 0 : i32
      %dma_wait3A_163 = arith.constant 0 : i32
      %dma_wait3A_164 = tpu.memref_slice %arg11[%run_scoped3A_16, %dma_wait3A_162, %dma_wait3A_163] : memref<1x128x128xf32, #tpu.memory_space<vmem>> -> memref<1x128x128xf32, #tpu.memory_space<vmem>>
      %dma_wait3A_165 = tpu.memref_squeeze %dma_wait3A_164 : memref<1x128x128xf32, #tpu.memory_space<vmem>> -> memref<128x128xf32, #tpu.memory_space<vmem>>
      %dma_wait3A_166 = arith.constant 0 : i32
      %dma_wait3A_167 = tpu.memref_slice %arg9[%run_scoped3A_17, %dma_wait3A_166] : memref<1x128xi32, #tpu.memory_space<vmem>> -> memref<1x128xi32, #tpu.memory_space<vmem>>
      %dma_wait3A_168 = tpu.memref_squeeze %dma_wait3A_167 : memref<1x128xi32, #tpu.memory_space<vmem>> -> memref<128xi32, #tpu.memory_space<vmem>>
      %dma_wait3A_169 = arith.constant 0 : i32
      %dma_wait3A_170 = arith.constant 0 : i32
      %dma_wait3A_171 = tpu.memref_slice %arg13[%dma_wait3A_169, %dma_wait3A_170] : memref<10240x128xf32, #tpu.memory_space<vmem_shared>> -> memref<10240x128xf32, #tpu.memory_space<vmem_shared>>
      tpu.wait_indirect_dma semaphore(%run_scoped3A_151 : memref<!tpu.dma_semaphore, #tpu.memory_space<semaphore_mem>>) src(%dma_wait3A_165 : memref<128x128xf32, #tpu.memory_space<vmem>>) dst(%dma_wait3A_171 : memref<10240x128xf32, #tpu.memory_space<vmem_shared>>)
      tpu.yield
    }) : () -> ()
    %add3A_18 = arith.constant 256 : i32
    %add3A_19 = arith.addi %mul3A_7, %add3A_18 : i32
    %run_scoped3A_20 = arith.constant 0 : i32
    "tpu.region"() ({
      %run_scoped3A_151 = tpu.sem_alloc : memref<!tpu.dma_semaphore, #tpu.memory_space<semaphore_mem>>
      %dma_start3A_152 = arith.constant 0 : i32
      %dma_start3A_153 = tpu.memref_slice %arg9[%run_scoped3A_20, %dma_start3A_152] : memref<1x128xi32, #tpu.memory_space<vmem>> -> memref<1x128xi32, #tpu.memory_space<vmem>>
      %dma_start3A_154 = tpu.memref_squeeze %dma_start3A_153 : memref<1x128xi32, #tpu.memory_space<vmem>> -> memref<128xi32, #tpu.memory_space<vmem>>
      %dma_start3A_155 = tpu.memref_slice %arg5[%add3A_19] : memref<10240xi32, #tpu.memory_space<hbm>> -> memref<128xi32, #tpu.memory_space<hbm>>
      %dma_start3A_156 = arith.constant 0 : i32
      %dma_start3A_157 = tpu.memref_slice %arg9[%run_scoped3A_20, %dma_start3A_156] : memref<1x128xi32, #tpu.memory_space<vmem>> -> memref<1x128xi32, #tpu.memory_space<vmem>>
      %dma_start3A_158 = tpu.memref_squeeze %dma_start3A_157 : memref<1x128xi32, #tpu.memory_space<vmem>> -> memref<128xi32, #tpu.memory_space<vmem>>
      %dma_start3A_159 = tpu.memref_slice %arg5[%add3A_19] : memref<10240xi32, #tpu.memory_space<hbm>> -> memref<128xi32, #tpu.memory_space<hbm>>
      tpu.enqueue_dma source(%dma_start3A_159 : memref<128xi32, #tpu.memory_space<hbm>>) target(%dma_start3A_158 : memref<128xi32, #tpu.memory_space<vmem>>) target_semaphore(%run_scoped3A_151 : memref<!tpu.dma_semaphore, #tpu.memory_space<semaphore_mem>>)
      %dma_wait3A_160 = arith.constant 0 : i32
      %dma_wait3A_161 = tpu.memref_slice %arg9[%run_scoped3A_20, %dma_wait3A_160] : memref<1x128xi32, #tpu.memory_space<vmem>> -> memref<1x128xi32, #tpu.memory_space<vmem>>
      %dma_wait3A_162 = tpu.memref_squeeze %dma_wait3A_161 : memref<1x128xi32, #tpu.memory_space<vmem>> -> memref<128xi32, #tpu.memory_space<vmem>>
      %dma_wait3A_163 = tpu.memref_slice %arg5[%add3A_19] : memref<10240xi32, #tpu.memory_space<hbm>> -> memref<128xi32, #tpu.memory_space<hbm>>
      %dma_wait3A_164 = arith.constant 0 : i32
      %dma_wait3A_165 = tpu.memref_slice %arg9[%run_scoped3A_20, %dma_wait3A_164] : memref<1x128xi32, #tpu.memory_space<vmem>> -> memref<1x128xi32, #tpu.memory_space<vmem>>
      %dma_wait3A_166 = tpu.memref_squeeze %dma_wait3A_165 : memref<1x128xi32, #tpu.memory_space<vmem>> -> memref<128xi32, #tpu.memory_space<vmem>>
      %dma_wait3A_167 = tpu.memref_slice %arg5[%add3A_19] : memref<10240xi32, #tpu.memory_space<hbm>> -> memref<128xi32, #tpu.memory_space<hbm>>
      tpu.wait_dma2 semaphore(%run_scoped3A_151 : memref<!tpu.dma_semaphore, #tpu.memory_space<semaphore_mem>>) src(%dma_wait3A_167 : memref<128xi32, #tpu.memory_space<hbm>>) dst(%dma_wait3A_166 : memref<128xi32, #tpu.memory_space<vmem>>)
      tpu.yield
    }) : () -> ()
    %run_scoped3A_21 = arith.constant 0 : i32
    %run_scoped3A_22 = arith.constant 0 : i32
    "tpu.region"() ({
      %run_scoped3A_151 = tpu.sem_alloc : memref<!tpu.dma_semaphore, #tpu.memory_space<semaphore_mem>>
      %dma_start3A_152 = arith.constant 0 : i32
      %dma_start3A_153 = arith.constant 0 : i32
      %dma_start3A_154 = tpu.memref_slice %arg11[%run_scoped3A_21, %dma_start3A_152, %dma_start3A_153] : memref<1x128x128xf32, #tpu.memory_space<vmem>> -> memref<1x128x128xf32, #tpu.memory_space<vmem>>
      %dma_start3A_155 = tpu.memref_squeeze %dma_start3A_154 : memref<1x128x128xf32, #tpu.memory_space<vmem>> -> memref<128x128xf32, #tpu.memory_space<vmem>>
      %dma_start3A_156 = arith.constant 0 : i32
      %dma_start3A_157 = tpu.memref_slice %arg9[%run_scoped3A_22, %dma_start3A_156] : memref<1x128xi32, #tpu.memory_space<vmem>> -> memref<1x128xi32, #tpu.memory_space<vmem>>
      %dma_start3A_158 = tpu.memref_squeeze %dma_start3A_157 : memref<1x128xi32, #tpu.memory_space<vmem>> -> memref<128xi32, #tpu.memory_space<vmem>>
      %dma_start3A_159 = arith.constant 0 : i32
      %dma_start3A_160 = arith.constant 0 : i32
      %dma_start3A_161 = tpu.memref_slice %arg13[%dma_start3A_159, %dma_start3A_160] : memref<10240x128xf32, #tpu.memory_space<vmem_shared>> -> memref<10240x128xf32, #tpu.memory_space<vmem_shared>>
      tpu.enqueue_indirect_dma source(%dma_start3A_155 : memref<128x128xf32, #tpu.memory_space<vmem>>) target(%dma_start3A_161 : memref<10240x128xf32, #tpu.memory_space<vmem_shared>>) offsets(%dma_start3A_158 : memref<128xi32, #tpu.memory_space<vmem>>) semaphore(%run_scoped3A_151 : memref<!tpu.dma_semaphore, #tpu.memory_space<semaphore_mem>>)
      %dma_wait3A_162 = arith.constant 0 : i32
      %dma_wait3A_163 = arith.constant 0 : i32
      %dma_wait3A_164 = tpu.memref_slice %arg11[%run_scoped3A_21, %dma_wait3A_162, %dma_wait3A_163] : memref<1x128x128xf32, #tpu.memory_space<vmem>> -> memref<1x128x128xf32, #tpu.memory_space<vmem>>
      %dma_wait3A_165 = tpu.memref_squeeze %dma_wait3A_164 : memref<1x128x128xf32, #tpu.memory_space<vmem>> -> memref<128x128xf32, #tpu.memory_space<vmem>>
      %dma_wait3A_166 = arith.constant 0 : i32
      %dma_wait3A_167 = tpu.memref_slice %arg9[%run_scoped3A_22, %dma_wait3A_166] : memref<1x128xi32, #tpu.memory_space<vmem>> -> memref<1x128xi32, #tpu.memory_space<vmem>>
      %dma_wait3A_168 = tpu.memref_squeeze %dma_wait3A_167 : memref<1x128xi32, #tpu.memory_space<vmem>> -> memref<128xi32, #tpu.memory_space<vmem>>
      %dma_wait3A_169 = arith.constant 0 : i32
      %dma_wait3A_170 = arith.constant 0 : i32
      %dma_wait3A_171 = tpu.memref_slice %arg13[%dma_wait3A_169, %dma_wait3A_170] : memref<10240x128xf32, #tpu.memory_space<vmem_shared>> -> memref<10240x128xf32, #tpu.memory_space<vmem_shared>>
      tpu.wait_indirect_dma semaphore(%run_scoped3A_151 : memref<!tpu.dma_semaphore, #tpu.memory_space<semaphore_mem>>) src(%dma_wait3A_165 : memref<128x128xf32, #tpu.memory_space<vmem>>) dst(%dma_wait3A_171 : memref<10240x128xf32, #tpu.memory_space<vmem_shared>>)
      tpu.yield
    }) : () -> ()
    %add3A_23 = arith.constant 384 : i32
    %add3A_24 = arith.addi %mul3A_7, %add3A_23 : i32
    %run_scoped3A_25 = arith.constant 0 : i32
    "tpu.region"() ({
      %run_scoped3A_151 = tpu.sem_alloc : memref<!tpu.dma_semaphore, #tpu.memory_space<semaphore_mem>>
      %dma_start3A_152 = arith.constant 0 : i32
      %dma_start3A_153 = tpu.memref_slice %arg9[%run_scoped3A_25, %dma_start3A_152] : memref<1x128xi32, #tpu.memory_space<vmem>> -> memref<1x128xi32, #tpu.memory_space<vmem>>
      %dma_start3A_154 = tpu.memref_squeeze %dma_start3A_153 : memref<1x128xi32, #tpu.memory_space<vmem>> -> memref<128xi32, #tpu.memory_space<vmem>>
      %dma_start3A_155 = tpu.memref_slice %arg5[%add3A_24] : memref<10240xi32, #tpu.memory_space<hbm>> -> memref<128xi32, #tpu.memory_space<hbm>>
      %dma_start3A_156 = arith.constant 0 : i32
      %dma_start3A_157 = tpu.memref_slice %arg9[%run_scoped3A_25, %dma_start3A_156] : memref<1x128xi32, #tpu.memory_space<vmem>> -> memref<1x128xi32, #tpu.memory_space<vmem>>
      %dma_start3A_158 = tpu.memref_squeeze %dma_start3A_157 : memref<1x128xi32, #tpu.memory_space<vmem>> -> memref<128xi32, #tpu.memory_space<vmem>>
      %dma_start3A_159 = tpu.memref_slice %arg5[%add3A_24] : memref<10240xi32, #tpu.memory_space<hbm>> -> memref<128xi32, #tpu.memory_space<hbm>>
      tpu.enqueue_dma source(%dma_start3A_159 : memref<128xi32, #tpu.memory_space<hbm>>) target(%dma_start3A_158 : memref<128xi32, #tpu.memory_space<vmem>>) target_semaphore(%run_scoped3A_151 : memref<!tpu.dma_semaphore, #tpu.memory_space<semaphore_mem>>)
      %dma_wait3A_160 = arith.constant 0 : i32
      %dma_wait3A_161 = tpu.memref_slice %arg9[%run_scoped3A_25, %dma_wait3A_160] : memref<1x128xi32, #tpu.memory_space<vmem>> -> memref<1x128xi32, #tpu.memory_space<vmem>>
      %dma_wait3A_162 = tpu.memref_squeeze %dma_wait3A_161 : memref<1x128xi32, #tpu.memory_space<vmem>> -> memref<128xi32, #tpu.memory_space<vmem>>
      %dma_wait3A_163 = tpu.memref_slice %arg5[%add3A_24] : memref<10240xi32, #tpu.memory_space<hbm>> -> memref<128xi32, #tpu.memory_space<hbm>>
      %dma_wait3A_164 = arith.constant 0 : i32
      %dma_wait3A_165 = tpu.memref_slice %arg9[%run_scoped3A_25, %dma_wait3A_164] : memref<1x128xi32, #tpu.memory_space<vmem>> -> memref<1x128xi32, #tpu.memory_space<vmem>>
      %dma_wait3A_166 = tpu.memref_squeeze %dma_wait3A_165 : memref<1x128xi32, #tpu.memory_space<vmem>> -> memref<128xi32, #tpu.memory_space<vmem>>
      %dma_wait3A_167 = tpu.memref_slice %arg5[%add3A_24] : memref<10240xi32, #tpu.memory_space<hbm>> -> memref<128xi32, #tpu.memory_space<hbm>>
      tpu.wait_dma2 semaphore(%run_scoped3A_151 : memref<!tpu.dma_semaphore, #tpu.memory_space<semaphore_mem>>) src(%dma_wait3A_167 : memref<128xi32, #tpu.memory_space<hbm>>) dst(%dma_wait3A_166 : memref<128xi32, #tpu.memory_space<vmem>>)
      tpu.yield
    }) : () -> ()
    %run_scoped3A_26 = arith.constant 0 : i32
    %run_scoped3A_27 = arith.constant 0 : i32
    "tpu.region"() ({
      %run_scoped3A_151 = tpu.sem_alloc : memref<!tpu.dma_semaphore, #tpu.memory_space<semaphore_mem>>
      %dma_start3A_152 = arith.constant 0 : i32
      %dma_start3A_153 = arith.constant 0 : i32
      %dma_start3A_154 = tpu.memref_slice %arg11[%run_scoped3A_26, %dma_start3A_152, %dma_start3A_153] : memref<1x128x128xf32, #tpu.memory_space<vmem>> -> memref<1x128x128xf32, #tpu.memory_space<vmem>>
      %dma_start3A_155 = tpu.memref_squeeze %dma_start3A_154 : memref<1x128x128xf32, #tpu.memory_space<vmem>> -> memref<128x128xf32, #tpu.memory_space<vmem>>
      %dma_start3A_156 = arith.constant 0 : i32
      %dma_start3A_157 = tpu.memref_slice %arg9[%run_scoped3A_27, %dma_start3A_156] : memref<1x128xi32, #tpu.memory_space<vmem>> -> memref<1x128xi32, #tpu.memory_space<vmem>>
      %dma_start3A_158 = tpu.memref_squeeze %dma_start3A_157 : memref<1x128xi32, #tpu.memory_space<vmem>> -> memref<128xi32, #tpu.memory_space<vmem>>
      %dma_start3A_159 = arith.constant 0 : i32
      %dma_start3A_160 = arith.constant 0 : i32
      %dma_start3A_161 = tpu.memref_slice %arg13[%dma_start3A_159, %dma_start3A_160] : memref<10240x128xf32, #tpu.memory_space<vmem_shared>> -> memref<10240x128xf32, #tpu.memory_space<vmem_shared>>
      tpu.enqueue_indirect_dma source(%dma_start3A_155 : memref<128x128xf32, #tpu.memory_space<vmem>>) target(%dma_start3A_161 : memref<10240x128xf32, #tpu.memory_space<vmem_shared>>) offsets(%dma_start3A_158 : memref<128xi32, #tpu.memory_space<vmem>>) semaphore(%run_scoped3A_151 : memref<!tpu.dma_semaphore, #tpu.memory_space<semaphore_mem>>)
      %dma_wait3A_162 = arith.constant 0 : i32
      %dma_wait3A_163 = arith.constant 0 : i32
      %dma_wait3A_164 = tpu.memref_slice %arg11[%run_scoped3A_26, %dma_wait3A_162, %dma_wait3A_163] : memref<1x128x128xf32, #tpu.memory_space<vmem>> -> memref<1x128x128xf32, #tpu.memory_space<vmem>>
      %dma_wait3A_165 = tpu.memref_squeeze %dma_wait3A_164 : memref<1x128x128xf32, #tpu.memory_space<vmem>> -> memref<128x128xf32, #tpu.memory_space<vmem>>
      %dma_wait3A_166 = arith.constant 0 : i32
      %dma_wait3A_167 = tpu.memref_slice %arg9[%run_scoped3A_27, %dma_wait3A_166] : memref<1x128xi32, #tpu.memory_space<vmem>> -> memref<1x128xi32, #tpu.memory_space<vmem>>
      %dma_wait3A_168 = tpu.memref_squeeze %dma_wait3A_167 : memref<1x128xi32, #tpu.memory_space<vmem>> -> memref<128xi32, #tpu.memory_space<vmem>>
      %dma_wait3A_169 = arith.constant 0 : i32
      %dma_wait3A_170 = arith.constant 0 : i32
      %dma_wait3A_171 = tpu.memref_slice %arg13[%dma_wait3A_169, %dma_wait3A_170] : memref<10240x128xf32, #tpu.memory_space<vmem_shared>> -> memref<10240x128xf32, #tpu.memory_space<vmem_shared>>
      tpu.wait_indirect_dma semaphore(%run_scoped3A_151 : memref<!tpu.dma_semaphore, #tpu.memory_space<semaphore_mem>>) src(%dma_wait3A_165 : memref<128x128xf32, #tpu.memory_space<vmem>>) dst(%dma_wait3A_171 : memref<10240x128xf32, #tpu.memory_space<vmem_shared>>)
      tpu.yield
    }) : () -> ()
    %add3A_28 = arith.constant 512 : i32
    %add3A_29 = arith.addi %mul3A_7, %add3A_28 : i32
    %run_scoped3A_30 = arith.constant 0 : i32
    "tpu.region"() ({
      %run_scoped3A_151 = tpu.sem_alloc : memref<!tpu.dma_semaphore, #tpu.memory_space<semaphore_mem>>
      %dma_start3A_152 = arith.constant 0 : i32
      %dma_start3A_153 = tpu.memref_slice %arg9[%run_scoped3A_30, %dma_start3A_152] : memref<1x128xi32, #tpu.memory_space<vmem>> -> memref<1x128xi32, #tpu.memory_space<vmem>>
      %dma_start3A_154 = tpu.memref_squeeze %dma_start3A_153 : memref<1x128xi32, #tpu.memory_space<vmem>> -> memref<128xi32, #tpu.memory_space<vmem>>
      %dma_start3A_155 = tpu.memref_slice %arg5[%add3A_29] : memref<10240xi32, #tpu.memory_space<hbm>> -> memref<128xi32, #tpu.memory_space<hbm>>
      %dma_start3A_156 = arith.constant 0 : i32
      %dma_start3A_157 = tpu.memref_slice %arg9[%run_scoped3A_30, %dma_start3A_156] : memref<1x128xi32, #tpu.memory_space<vmem>> -> memref<1x128xi32, #tpu.memory_space<vmem>>
      %dma_start3A_158 = tpu.memref_squeeze %dma_start3A_157 : memref<1x128xi32, #tpu.memory_space<vmem>> -> memref<128xi32, #tpu.memory_space<vmem>>
      %dma_start3A_159 = tpu.memref_slice %arg5[%add3A_29] : memref<10240xi32, #tpu.memory_space<hbm>> -> memref<128xi32, #tpu.memory_space<hbm>>
      tpu.enqueue_dma source(%dma_start3A_159 : memref<128xi32, #tpu.memory_space<hbm>>) target(%dma_start3A_158 : memref<128xi32, #tpu.memory_space<vmem>>) target_semaphore(%run_scoped3A_151 : memref<!tpu.dma_semaphore, #tpu.memory_space<semaphore_mem>>)
      %dma_wait3A_160 = arith.constant 0 : i32
      %dma_wait3A_161 = tpu.memref_slice %arg9[%run_scoped3A_30, %dma_wait3A_160] : memref<1x128xi32, #tpu.memory_space<vmem>> -> memref<1x128xi32, #tpu.memory_space<vmem>>
      %dma_wait3A_162 = tpu.memref_squeeze %dma_wait3A_161 : memref<1x128xi32, #tpu.memory_space<vmem>> -> memref<128xi32, #tpu.memory_space<vmem>>
      %dma_wait3A_163 = tpu.memref_slice %arg5[%add3A_29] : memref<10240xi32, #tpu.memory_space<hbm>> -> memref<128xi32, #tpu.memory_space<hbm>>
      %dma_wait3A_164 = arith.constant 0 : i32
      %dma_wait3A_165 = tpu.memref_slice %arg9[%run_scoped3A_30, %dma_wait3A_164] : memref<1x128xi32, #tpu.memory_space<vmem>> -> memref<1x128xi32, #tpu.memory_space<vmem>>
      %dma_wait3A_166 = tpu.memref_squeeze %dma_wait3A_165 : memref<1x128xi32, #tpu.memory_space<vmem>> -> memref<128xi32, #tpu.memory_space<vmem>>
      %dma_wait3A_167 = tpu.memref_slice %arg5[%add3A_29] : memref<10240xi32, #tpu.memory_space<hbm>> -> memref<128xi32, #tpu.memory_space<hbm>>
      tpu.wait_dma2 semaphore(%run_scoped3A_151 : memref<!tpu.dma_semaphore, #tpu.memory_space<semaphore_mem>>) src(%dma_wait3A_167 : memref<128xi32, #tpu.memory_space<hbm>>) dst(%dma_wait3A_166 : memref<128xi32, #tpu.memory_space<vmem>>)
      tpu.yield
    }) : () -> ()
    %run_scoped3A_31 = arith.constant 0 : i32
    %run_scoped3A_32 = arith.constant 0 : i32
    "tpu.region"() ({
      %run_scoped3A_151 = tpu.sem_alloc : memref<!tpu.dma_semaphore, #tpu.memory_space<semaphore_mem>>
      %dma_start3A_152 = arith.constant 0 : i32
      %dma_start3A_153 = arith.constant 0 : i32
      %dma_start3A_154 = tpu.memref_slice %arg11[%run_scoped3A_31, %dma_start3A_152, %dma_start3A_153] : memref<1x128x128xf32, #tpu.memory_space<vmem>> -> memref<1x128x128xf32, #tpu.memory_space<vmem>>
      %dma_start3A_155 = tpu.memref_squeeze %dma_start3A_154 : memref<1x128x128xf32, #tpu.memory_space<vmem>> -> memref<128x128xf32, #tpu.memory_space<vmem>>
      %dma_start3A_156 = arith.constant 0 : i32
      %dma_start3A_157 = tpu.memref_slice %arg9[%run_scoped3A_32, %dma_start3A_156] : memref<1x128xi32, #tpu.memory_space<vmem>> -> memref<1x128xi32, #tpu.memory_space<vmem>>
      %dma_start3A_158 = tpu.memref_squeeze %dma_start3A_157 : memref<1x128xi32, #tpu.memory_space<vmem>> -> memref<128xi32, #tpu.memory_space<vmem>>
      %dma_start3A_159 = arith.constant 0 : i32
      %dma_start3A_160 = arith.constant 0 : i32
      %dma_start3A_161 = tpu.memref_slice %arg13[%dma_start3A_159, %dma_start3A_160] : memref<10240x128xf32, #tpu.memory_space<vmem_shared>> -> memref<10240x128xf32, #tpu.memory_space<vmem_shared>>
      tpu.enqueue_indirect_dma source(%dma_start3A_155 : memref<128x128xf32, #tpu.memory_space<vmem>>) target(%dma_start3A_161 : memref<10240x128xf32, #tpu.memory_space<vmem_shared>>) offsets(%dma_start3A_158 : memref<128xi32, #tpu.memory_space<vmem>>) semaphore(%run_scoped3A_151 : memref<!tpu.dma_semaphore, #tpu.memory_space<semaphore_mem>>)
      %dma_wait3A_162 = arith.constant 0 : i32
      %dma_wait3A_163 = arith.constant 0 : i32
      %dma_wait3A_164 = tpu.memref_slice %arg11[%run_scoped3A_31, %dma_wait3A_162, %dma_wait3A_163] : memref<1x128x128xf32, #tpu.memory_space<vmem>> -> memref<1x128x128xf32, #tpu.memory_space<vmem>>
      %dma_wait3A_165 = tpu.memref_squeeze %dma_wait3A_164 : memref<1x128x128xf32, #tpu.memory_space<vmem>> -> memref<128x128xf32, #tpu.memory_space<vmem>>
      %dma_wait3A_166 = arith.constant 0 : i32
      %dma_wait3A_167 = tpu.memref_slice %arg9[%run_scoped3A_32, %dma_wait3A_166] : memref<1x128xi32, #tpu.memory_space<vmem>> -> memref<1x128xi32, #tpu.memory_space<vmem>>
      %dma_wait3A_168 = tpu.memref_squeeze %dma_wait3A_167 : memref<1x128xi32, #tpu.memory_space<vmem>> -> memref<128xi32, #tpu.memory_space<vmem>>
      %dma_wait3A_169 = arith.constant 0 : i32
      %dma_wait3A_170 = arith.constant 0 : i32
      %dma_wait3A_171 = tpu.memref_slice %arg13[%dma_wait3A_169, %dma_wait3A_170] : memref<10240x128xf32, #tpu.memory_space<vmem_shared>> -> memref<10240x128xf32, #tpu.memory_space<vmem_shared>>
      tpu.wait_indirect_dma semaphore(%run_scoped3A_151 : memref<!tpu.dma_semaphore, #tpu.memory_space<semaphore_mem>>) src(%dma_wait3A_165 : memref<128x128xf32, #tpu.memory_space<vmem>>) dst(%dma_wait3A_171 : memref<10240x128xf32, #tpu.memory_space<vmem_shared>>)
      tpu.yield
    }) : () -> ()
    %barrier3A = arith.constant 0 : index
    tpu.barrier barrier_id(%barrier3A)
    %mul3A_33 = arith.constant 79 : i32
    %mul3A_34 = arith.muli %add3A, %mul3A_33 : i32
    %broadcast_in_dim3A_35 = arith.constant 1.000000e+00 : f32
    %broadcast_in_dim3A_36 = vector.broadcast %broadcast_in_dim3A_35 : f32 to vector<16xf32>
    %scan3A_37 = arith.constant 0 : i32
    %scan3A_38 = arith.constant 79 : i32
    %scan3A_39 = arith.addi %scan3A_37, %scan3A_38 : i32
    %scan3A_40 = arith.constant 1 : i32
    scf.for %scan3A_151 = %scan3A_37 to %scan3A_39 step %scan3A_40  : i32 {
      %mul3A_152 = arith.constant 1 : i32
      %mul3A_153 = arith.muli %scan3A_151, %mul3A_152 : i32
      %add3A_154 = arith.addi %mul3A_34, %mul3A_153 : i32
      %mul3A_155 = arith.constant 2 : i32
      %mul3A_156 = arith.muli %add3A_154, %mul3A_155 : i32
      %multiple_of3A = tpu.assume_multiple %mul3A_156, 2 : i32
      %add3A_157 = arith.constant 0 : i32
      %add3A_158 = arith.addi %multiple_of3A, %add3A_157 : i32
      %dma_start3A_159 = arith.constant 0 : i32
      %dma_start3A_160 = arith.constant 0 : i32
      %dma_start3A_161 = arith.constant 0 : i32
      %dma_start3A_162 = tpu.memref_slice %arg10[%dma_start3A_159, %dma_start3A_160, %dma_start3A_161] : memref<1x2x128xi32, #tpu.memory_space<vmem>> -> memref<1x2x128xi32, #tpu.memory_space<vmem>>
      %dma_start3A_163 = tpu.memref_squeeze %dma_start3A_162 : memref<1x2x128xi32, #tpu.memory_space<vmem>> -> memref<2x128xi32, #tpu.memory_space<vmem>>
      %dma_start3A_164 = arith.constant 0 : i32
      %dma_start3A_165 = tpu.memref_slice %arg2[%add3A_158, %dma_start3A_164] : memref<5056x128xi32, #tpu.memory_space<hbm>> -> memref<2x128xi32, #tpu.memory_space<hbm>>
      %dma_start3A_166 = arith.constant 0 : i32
      %dma_start3A_167 = arith.constant 0 : i32
      %dma_start3A_168 = tpu.memref_slice %arg10[%dma_start3A_159, %dma_start3A_166, %dma_start3A_167] : memref<1x2x128xi32, #tpu.memory_space<vmem>> -> memref<1x2x128xi32, #tpu.memory_space<vmem>>
      %dma_start3A_169 = tpu.memref_squeeze %dma_start3A_168 : memref<1x2x128xi32, #tpu.memory_space<vmem>> -> memref<2x128xi32, #tpu.memory_space<vmem>>
      %dma_start3A_170 = arith.constant 0 : i32
      %dma_start3A_171 = tpu.memref_slice %arg2[%add3A_158, %dma_start3A_170] : memref<5056x128xi32, #tpu.memory_space<hbm>> -> memref<2x128xi32, #tpu.memory_space<hbm>>
      tpu.enqueue_dma source(%dma_start3A_171 : memref<2x128xi32, #tpu.memory_space<hbm>>) target(%dma_start3A_169 : memref<2x128xi32, #tpu.memory_space<vmem>>) target_semaphore(%arg15 : memref<!tpu.dma_semaphore, #tpu.memory_space<semaphore_mem>>)
      %dma_wait3A_172 = arith.constant 0 : i32
      %dma_wait3A_173 = arith.constant 0 : i32
      %dma_wait3A_174 = arith.constant 0 : i32
      %dma_wait3A_175 = tpu.memref_slice %arg10[%dma_wait3A_172, %dma_wait3A_173, %dma_wait3A_174] : memref<1x2x128xi32, #tpu.memory_space<vmem>> -> memref<1x2x128xi32, #tpu.memory_space<vmem>>
      %dma_wait3A_176 = tpu.memref_squeeze %dma_wait3A_175 : memref<1x2x128xi32, #tpu.memory_space<vmem>> -> memref<2x128xi32, #tpu.memory_space<vmem>>
      %dma_wait3A_177 = arith.constant 0 : i32
      %dma_wait3A_178 = tpu.memref_slice %arg2[%add3A_158, %dma_wait3A_177] : memref<5056x128xi32, #tpu.memory_space<hbm>> -> memref<2x128xi32, #tpu.memory_space<hbm>>
      %dma_wait3A_179 = arith.constant 0 : i32
      %dma_wait3A_180 = arith.constant 0 : i32
      %dma_wait3A_181 = tpu.memref_slice %arg10[%dma_wait3A_172, %dma_wait3A_179, %dma_wait3A_180] : memref<1x2x128xi32, #tpu.memory_space<vmem>> -> memref<1x2x128xi32, #tpu.memory_space<vmem>>
      %dma_wait3A_182 = tpu.memref_squeeze %dma_wait3A_181 : memref<1x2x128xi32, #tpu.memory_space<vmem>> -> memref<2x128xi32, #tpu.memory_space<vmem>>
      %dma_wait3A_183 = arith.constant 0 : i32
      %dma_wait3A_184 = tpu.memref_slice %arg2[%add3A_158, %dma_wait3A_183] : memref<5056x128xi32, #tpu.memory_space<hbm>> -> memref<2x128xi32, #tpu.memory_space<hbm>>
      tpu.wait_dma2 semaphore(%arg15 : memref<!tpu.dma_semaphore, #tpu.memory_space<semaphore_mem>>) src(%dma_wait3A_184 : memref<2x128xi32, #tpu.memory_space<hbm>>) dst(%dma_wait3A_182 : memref<2x128xi32, #tpu.memory_space<vmem>>)
      %dma_start3A_185 = arith.constant 0 : i32
      %dma_start3A_186 = arith.constant 0 : i32
      %dma_start3A_187 = arith.constant 0 : i32
      %dma_start3A_188 = arith.constant 0 : i32
      %dma_start3A_189 = arith.constant 0 : i32
      %dma_start3A_190 = tpu.memref_slice %arg11[%dma_start3A_187, %dma_start3A_188, %dma_start3A_189] : memref<1x128x128xf32, #tpu.memory_space<vmem>> -> memref<1x128x128xf32, #tpu.memory_space<vmem>>
      %dma_start3A_191 = tpu.memref_squeeze %dma_start3A_190 : memref<1x128x128xf32, #tpu.memory_space<vmem>> -> memref<128x128xf32, #tpu.memory_space<vmem>>
      %dma_start3A_192 = arith.constant 0 : i32
      %dma_start3A_193 = tpu.memref_slice %arg10[%dma_start3A_185, %dma_start3A_186, %dma_start3A_192] : memref<1x2x128xi32, #tpu.memory_space<vmem>> -> memref<1x1x128xi32, #tpu.memory_space<vmem>>
      %dma_start3A_194 = tpu.memref_squeeze %dma_start3A_193 : memref<1x1x128xi32, #tpu.memory_space<vmem>> -> memref<128xi32, #tpu.memory_space<vmem>>
      %dma_start3A_195 = arith.constant 0 : i32
      %dma_start3A_196 = arith.constant 0 : i32
      %dma_start3A_197 = tpu.memref_slice %arg3[%dma_start3A_195, %dma_start3A_196] : memref<10000x128xf32, #tpu.memory_space<hbm>> -> memref<10000x128xf32, #tpu.memory_space<hbm>>
      tpu.enqueue_indirect_dma source(%dma_start3A_197 : memref<10000x128xf32, #tpu.memory_space<hbm>>) target(%dma_start3A_191 : memref<128x128xf32, #tpu.memory_space<vmem>>) offsets(%dma_start3A_194 : memref<128xi32, #tpu.memory_space<vmem>>) semaphore(%arg16 : memref<!tpu.dma_semaphore, #tpu.memory_space<semaphore_mem>>)
      %get3A = arith.constant 0 : i32
      %get3A_198 = arith.constant 1 : i32
      %get3A_199 = arith.index_cast %get3A : i32 to index
      %get3A_200 = arith.index_cast %get3A_198 : i32 to index
      %get3A_201 = arith.constant 0 : index
      %get3A_202 = tpu.vector_load %arg10[%get3A_199, %get3A_200, %get3A_201] {strides = array<i32>} : memref<1x2x128xi32, #tpu.memory_space<vmem>>, vector<16xi32>,
      tpu.vector_store_idx %arg12[%get3A_202], %broadcast_in_dim3A_36 {add = true} : memref<10240xf32, #tpu.memory_space<vmem>>[vector<16xi32>], vector<16xf32>,
      %get3A_203 = arith.constant 0 : i32
      %get3A_204 = arith.constant 1 : i32
      %get3A_205 = arith.index_cast %get3A_203 : i32 to index
      %get3A_206 = arith.index_cast %get3A_204 : i32 to index
      %get3A_207 = arith.constant 16 : index
      %get3A_208 = tpu.vector_load %arg10[%get3A_205, %get3A_206, %get3A_207] {strides = array<i32>} : memref<1x2x128xi32, #tpu.memory_space<vmem>>, vector<16xi32>,
      tpu.vector_store_idx %arg12[%get3A_208], %broadcast_in_dim3A_36 {add = true} : memref<10240xf32, #tpu.memory_space<vmem>>[vector<16xi32>], vector<16xf32>,
      %get3A_209 = arith.constant 0 : i32
      %get3A_210 = arith.constant 1 : i32
      %get3A_211 = arith.index_cast %get3A_209 : i32 to index
      %get3A_212 = arith.index_cast %get3A_210 : i32 to index
      %get3A_213 = arith.constant 32 : index
      %get3A_214 = tpu.vector_load %arg10[%get3A_211, %get3A_212, %get3A_213] {strides = array<i32>} : memref<1x2x128xi32, #tpu.memory_space<vmem>>, vector<16xi32>,
      tpu.vector_store_idx %arg12[%get3A_214], %broadcast_in_dim3A_36 {add = true} : memref<10240xf32, #tpu.memory_space<vmem>>[vector<16xi32>], vector<16xf32>,
      %get3A_215 = arith.constant 0 : i32
      %get3A_216 = arith.constant 1 : i32
      %get3A_217 = arith.index_cast %get3A_215 : i32 to index
      %get3A_218 = arith.index_cast %get3A_216 : i32 to index
      %get3A_219 = arith.constant 48 : index
      %get3A_220 = tpu.vector_load %arg10[%get3A_217, %get3A_218, %get3A_219] {strides = array<i32>} : memref<1x2x128xi32, #tpu.memory_space<vmem>>, vector<16xi32>,
      tpu.vector_store_idx %arg12[%get3A_220], %broadcast_in_dim3A_36 {add = true} : memref<10240xf32, #tpu.memory_space<vmem>>[vector<16xi32>], vector<16xf32>,
      %get3A_221 = arith.constant 0 : i32
      %get3A_222 = arith.constant 1 : i32
      %get3A_223 = arith.index_cast %get3A_221 : i32 to index
      %get3A_224 = arith.index_cast %get3A_222 : i32 to index
      %get3A_225 = arith.constant 64 : index
      %get3A_226 = tpu.vector_load %arg10[%get3A_223, %get3A_224, %get3A_225] {strides = array<i32>} : memref<1x2x128xi32, #tpu.memory_space<vmem>>, vector<16xi32>,
      tpu.vector_store_idx %arg12[%get3A_226], %broadcast_in_dim3A_36 {add = true} : memref<10240xf32, #tpu.memory_space<vmem>>[vector<16xi32>], vector<16xf32>,
      %get3A_227 = arith.constant 0 : i32
      %get3A_228 = arith.constant 1 : i32
      %get3A_229 = arith.index_cast %get3A_227 : i32 to index
      %get3A_230 = arith.index_cast %get3A_228 : i32 to index
      %get3A_231 = arith.constant 80 : index
      %get3A_232 = tpu.vector_load %arg10[%get3A_229, %get3A_230, %get3A_231] {strides = array<i32>} : memref<1x2x128xi32, #tpu.memory_space<vmem>>, vector<16xi32>,
      tpu.vector_store_idx %arg12[%get3A_232], %broadcast_in_dim3A_36 {add = true} : memref<10240xf32, #tpu.memory_space<vmem>>[vector<16xi32>], vector<16xf32>,
      %get3A_233 = arith.constant 0 : i32
      %get3A_234 = arith.constant 1 : i32
      %get3A_235 = arith.index_cast %get3A_233 : i32 to index
      %get3A_236 = arith.index_cast %get3A_234 : i32 to index
      %get3A_237 = arith.constant 96 : index
      %get3A_238 = tpu.vector_load %arg10[%get3A_235, %get3A_236, %get3A_237] {strides = array<i32>} : memref<1x2x128xi32, #tpu.memory_space<vmem>>, vector<16xi32>,
      tpu.vector_store_idx %arg12[%get3A_238], %broadcast_in_dim3A_36 {add = true} : memref<10240xf32, #tpu.memory_space<vmem>>[vector<16xi32>], vector<16xf32>,
      %get3A_239 = arith.constant 0 : i32
      %get3A_240 = arith.constant 1 : i32
      %get3A_241 = arith.index_cast %get3A_239 : i32 to index
      %get3A_242 = arith.index_cast %get3A_240 : i32 to index
      %get3A_243 = arith.constant 112 : index
      %get3A_244 = tpu.vector_load %arg10[%get3A_241, %get3A_242, %get3A_243] {strides = array<i32>} : memref<1x2x128xi32, #tpu.memory_space<vmem>>, vector<16xi32>,
      tpu.vector_store_idx %arg12[%get3A_244], %broadcast_in_dim3A_36 {add = true} : memref<10240xf32, #tpu.memory_space<vmem>>[vector<16xi32>], vector<16xf32>,
      %dma_wait3A_245 = arith.constant 0 : i32
      %dma_wait3A_246 = arith.constant 0 : i32
      %dma_wait3A_247 = arith.constant 0 : i32
      %dma_wait3A_248 = arith.constant 0 : i32
      %dma_wait3A_249 = arith.constant 0 : i32
      %dma_wait3A_250 = tpu.memref_slice %arg11[%dma_wait3A_247, %dma_wait3A_248, %dma_wait3A_249] : memref<1x128x128xf32, #tpu.memory_space<vmem>> -> memref<1x128x128xf32, #tpu.memory_space<vmem>>
      %dma_wait3A_251 = tpu.memref_squeeze %dma_wait3A_250 : memref<1x128x128xf32, #tpu.memory_space<vmem>> -> memref<128x128xf32, #tpu.memory_space<vmem>>
      %dma_wait3A_252 = arith.constant 0 : i32
      %dma_wait3A_253 = tpu.memref_slice %arg10[%dma_wait3A_245, %dma_wait3A_246, %dma_wait3A_252] : memref<1x2x128xi32, #tpu.memory_space<vmem>> -> memref<1x1x128xi32, #tpu.memory_space<vmem>>
      %dma_wait3A_254 = tpu.memref_squeeze %dma_wait3A_253 : memref<1x1x128xi32, #tpu.memory_space<vmem>> -> memref<128xi32, #tpu.memory_space<vmem>>
      %dma_wait3A_255 = arith.constant 0 : i32
      %dma_wait3A_256 = arith.constant 0 : i32
      %dma_wait3A_257 = tpu.memref_slice %arg3[%dma_wait3A_255, %dma_wait3A_256] : memref<10000x128xf32, #tpu.memory_space<hbm>> -> memref<10000x128xf32, #tpu.memory_space<hbm>>
      tpu.wait_indirect_dma semaphore(%arg16 : memref<!tpu.dma_semaphore, #tpu.memory_space<semaphore_mem>>) src(%dma_wait3A_257 : memref<10000x128xf32, #tpu.memory_space<hbm>>) dst(%dma_wait3A_251 : memref<128x128xf32, #tpu.memory_space<vmem>>)
      %dma_start3A_258 = arith.constant 0 : i32
      %dma_start3A_259 = arith.constant 0 : i32
      %dma_start3A_260 = arith.constant 1 : i32
      %dma_start3A_261 = arith.constant 0 : i32
      %dma_start3A_262 = arith.constant 0 : i32
      %dma_start3A_263 = tpu.memref_slice %arg11[%dma_start3A_258, %dma_start3A_261, %dma_start3A_262] : memref<1x128x128xf32, #tpu.memory_space<vmem>> -> memref<1x128x128xf32, #tpu.memory_space<vmem>>
      %dma_start3A_264 = tpu.memref_squeeze %dma_start3A_263 : memref<1x128x128xf32, #tpu.memory_space<vmem>> -> memref<128x128xf32, #tpu.memory_space<vmem>>
      %dma_start3A_265 = arith.constant 0 : i32
      %dma_start3A_266 = tpu.memref_slice %arg10[%dma_start3A_259, %dma_start3A_260, %dma_start3A_265] : memref<1x2x128xi32, #tpu.memory_space<vmem>> -> memref<1x1x128xi32, #tpu.memory_space<vmem>>
      %dma_start3A_267 = tpu.memref_squeeze %dma_start3A_266 : memref<1x1x128xi32, #tpu.memory_space<vmem>> -> memref<128xi32, #tpu.memory_space<vmem>>
      %dma_start3A_268 = arith.constant 0 : i32
      %dma_start3A_269 = arith.constant 0 : i32
      %dma_start3A_270 = tpu.memref_slice %arg13[%dma_start3A_268, %dma_start3A_269] : memref<10240x128xf32, #tpu.memory_space<vmem_shared>> -> memref<10240x128xf32, #tpu.memory_space<vmem_shared>>
      tpu.enqueue_indirect_dma source(%dma_start3A_264 : memref<128x128xf32, #tpu.memory_space<vmem>>) target(%dma_start3A_270 : memref<10240x128xf32, #tpu.memory_space<vmem_shared>>) offsets(%dma_start3A_267 : memref<128xi32, #tpu.memory_space<vmem>>) semaphore(%arg17 : memref<!tpu.dma_semaphore, #tpu.memory_space<semaphore_mem>>) {add = true}
      %dma_wait3A_271 = arith.constant 0 : i32
      %dma_wait3A_272 = arith.constant 0 : i32
      %dma_wait3A_273 = arith.constant 1 : i32
      %dma_wait3A_274 = arith.constant 0 : i32
      %dma_wait3A_275 = arith.constant 0 : i32
      %dma_wait3A_276 = tpu.memref_slice %arg11[%dma_wait3A_271, %dma_wait3A_274, %dma_wait3A_275] : memref<1x128x128xf32, #tpu.memory_space<vmem>> -> memref<1x128x128xf32, #tpu.memory_space<vmem>>
      %dma_wait3A_277 = tpu.memref_squeeze %dma_wait3A_276 : memref<1x128x128xf32, #tpu.memory_space<vmem>> -> memref<128x128xf32, #tpu.memory_space<vmem>>
      %dma_wait3A_278 = arith.constant 0 : i32
      %dma_wait3A_279 = tpu.memref_slice %arg10[%dma_wait3A_272, %dma_wait3A_273, %dma_wait3A_278] : memref<1x2x128xi32, #tpu.memory_space<vmem>> -> memref<1x1x128xi32, #tpu.memory_space<vmem>>
      %dma_wait3A_280 = tpu.memref_squeeze %dma_wait3A_279 : memref<1x1x128xi32, #tpu.memory_space<vmem>> -> memref<128xi32, #tpu.memory_space<vmem>>
      %dma_wait3A_281 = arith.constant 0 : i32
      %dma_wait3A_282 = arith.constant 0 : i32
      %dma_wait3A_283 = tpu.memref_slice %arg13[%dma_wait3A_281, %dma_wait3A_282] : memref<10240x128xf32, #tpu.memory_space<vmem_shared>> -> memref<10240x128xf32, #tpu.memory_space<vmem_shared>>
      tpu.wait_indirect_dma semaphore(%arg17 : memref<!tpu.dma_semaphore, #tpu.memory_space<semaphore_mem>>) src(%dma_wait3A_277 : memref<128x128xf32, #tpu.memory_space<vmem>>) dst(%dma_wait3A_283 : memref<10240x128xf32, #tpu.memory_space<vmem_shared>>)
    }
    %scan3A_41 = arith.constant 79 : i32
    %barrier3A_42 = arith.constant 0 : index
    tpu.barrier barrier_id(%barrier3A_42)
    %mul3A_43 = arith.constant 10240 : i32
    %mul3A_44 = arith.muli %add3A, %mul3A_43 : i32
    "tpu.region"() ({
      %run_scoped3A_151 = tpu.sem_alloc : memref<!tpu.dma_semaphore, #tpu.memory_space<semaphore_mem>>
      %dma_start3A_152 = tpu.memref_slice %arg7[%mul3A_44] : memref<327680xf32, #tpu.memory_space<hbm>> -> memref<10240xf32, #tpu.memory_space<hbm>>
      %dma_start3A_153 = tpu.memref_slice %arg7[%mul3A_44] : memref<327680xf32, #tpu.memory_space<hbm>> -> memref<10240xf32, #tpu.memory_space<hbm>>
      tpu.enqueue_dma source(%arg12 : memref<10240xf32, #tpu.memory_space<vmem>>) target(%dma_start3A_153 : memref<10240xf32, #tpu.memory_space<hbm>>) target_semaphore(%run_scoped3A_151 : memref<!tpu.dma_semaphore, #tpu.memory_space<semaphore_mem>>)
      %dma_wait3A_154 = tpu.memref_slice %arg7[%mul3A_44] : memref<327680xf32, #tpu.memory_space<hbm>> -> memref<10240xf32, #tpu.memory_space<hbm>>
      %dma_wait3A_155 = tpu.memref_slice %arg7[%mul3A_44] : memref<327680xf32, #tpu.memory_space<hbm>> -> memref<10240xf32, #tpu.memory_space<hbm>>
      tpu.wait_dma2 semaphore(%run_scoped3A_151 : memref<!tpu.dma_semaphore, #tpu.memory_space<semaphore_mem>>) src(%arg12 : memref<10240xf32, #tpu.memory_space<vmem>>) dst(%dma_wait3A_155 : memref<10240xf32, #tpu.memory_space<hbm>>)
      tpu.yield
    }) : () -> ()
    %mul3A_45 = arith.constant 10240 : i32
    %mul3A_46 = arith.muli %arg0, %mul3A_45 : i32
    %add3A_47 = arith.addi %mul3A_46, %mul3A_7 : i32
    %add3A_48 = arith.constant 0 : i32
    %add3A_49 = arith.addi %mul3A_7, %add3A_48 : i32
    "tpu.region"() ({
      %run_scoped3A_151 = tpu.sem_alloc : memref<!tpu.dma_semaphore, #tpu.memory_space<semaphore_mem>>
      %dma_start3A_152 = tpu.memref_slice %arg5[%add3A_49] : memref<10240xi32, #tpu.memory_space<hbm>> -> memref<128xi32, #tpu.memory_space<hbm>>
      %dma_start3A_153 = tpu.memref_slice %arg5[%add3A_49] : memref<10240xi32, #tpu.memory_space<hbm>> -> memref<128xi32, #tpu.memory_space<hbm>>
      tpu.enqueue_dma source(%dma_start3A_153 : memref<128xi32, #tpu.memory_space<hbm>>) target(%arg8 : memref<128xi32, #tpu.memory_space<vmem>>) target_semaphore(%run_scoped3A_151 : memref<!tpu.dma_semaphore, #tpu.memory_space<semaphore_mem>>)
      %dma_wait3A_154 = tpu.memref_slice %arg5[%add3A_49] : memref<10240xi32, #tpu.memory_space<hbm>> -> memref<128xi32, #tpu.memory_space<hbm>>
      %dma_wait3A_155 = tpu.memref_slice %arg5[%add3A_49] : memref<10240xi32, #tpu.memory_space<hbm>> -> memref<128xi32, #tpu.memory_space<hbm>>
      tpu.wait_dma2 semaphore(%run_scoped3A_151 : memref<!tpu.dma_semaphore, #tpu.memory_space<semaphore_mem>>) src(%dma_wait3A_155 : memref<128xi32, #tpu.memory_space<hbm>>) dst(%arg8 : memref<128xi32, #tpu.memory_space<vmem>>)
      tpu.yield
    }) : () -> ()
    %dma_start3A = arith.constant 0 : i32
    %dma_start3A_50 = arith.constant 0 : i32
    %dma_start3A_51 = arith.constant 0 : i32
    %dma_start3A_52 = tpu.memref_slice %arg11[%dma_start3A, %dma_start3A_50, %dma_start3A_51] : memref<1x128x128xf32, #tpu.memory_space<vmem>> -> memref<1x128x128xf32, #tpu.memory_space<vmem>>
    %dma_start3A_53 = tpu.memref_squeeze %dma_start3A_52 : memref<1x128x128xf32, #tpu.memory_space<vmem>> -> memref<128x128xf32, #tpu.memory_space<vmem>>
    %dma_start3A_54 = arith.constant 0 : i32
    %dma_start3A_55 = arith.constant 0 : i32
    %dma_start3A_56 = tpu.memref_slice %arg13[%dma_start3A_54, %dma_start3A_55] : memref<10240x128xf32, #tpu.memory_space<vmem_shared>> -> memref<10240x128xf32, #tpu.memory_space<vmem_shared>>
    tpu.enqueue_indirect_dma source(%dma_start3A_56 : memref<10240x128xf32, #tpu.memory_space<vmem_shared>>) target(%dma_start3A_53 : memref<128x128xf32, #tpu.memory_space<vmem>>) offsets(%arg8 : memref<128xi32, #tpu.memory_space<vmem>>) semaphore(%arg14 : memref<!tpu.dma_semaphore, #tpu.memory_space<semaphore_mem>>)
    %dma_wait3A = arith.constant 0 : i32
    %dma_wait3A_57 = arith.constant 0 : i32
    %dma_wait3A_58 = arith.constant 0 : i32
    %dma_wait3A_59 = tpu.memref_slice %arg11[%dma_wait3A, %dma_wait3A_57, %dma_wait3A_58] : memref<1x128x128xf32, #tpu.memory_space<vmem>> -> memref<1x128x128xf32, #tpu.memory_space<vmem>>
    %dma_wait3A_60 = tpu.memref_squeeze %dma_wait3A_59 : memref<1x128x128xf32, #tpu.memory_space<vmem>> -> memref<128x128xf32, #tpu.memory_space<vmem>>
    %dma_wait3A_61 = arith.constant 0 : i32
    %dma_wait3A_62 = arith.constant 0 : i32
    %dma_wait3A_63 = tpu.memref_slice %arg13[%dma_wait3A_61, %dma_wait3A_62] : memref<10240x128xf32, #tpu.memory_space<vmem_shared>> -> memref<10240x128xf32, #tpu.memory_space<vmem_shared>>
    tpu.wait_indirect_dma semaphore(%arg14 : memref<!tpu.dma_semaphore, #tpu.memory_space<semaphore_mem>>) src(%dma_wait3A_63 : memref<10240x128xf32, #tpu.memory_space<vmem_shared>>) dst(%dma_wait3A_60 : memref<128x128xf32, #tpu.memory_space<vmem>>)
    %add3A_64 = arith.constant 0 : i32
    %add3A_65 = arith.addi %add3A_47, %add3A_64 : i32
    %run_scoped3A_66 = arith.constant 0 : i32
    "tpu.region"() ({
      %run_scoped3A_151 = tpu.sem_alloc : memref<!tpu.dma_semaphore, #tpu.memory_space<semaphore_mem>>
      %dma_start3A_152 = arith.constant 0 : i32
      %dma_start3A_153 = arith.constant 0 : i32
      %dma_start3A_154 = tpu.memref_slice %arg11[%run_scoped3A_66, %dma_start3A_152, %dma_start3A_153] : memref<1x128x128xf32, #tpu.memory_space<vmem>> -> memref<1x128x128xf32, #tpu.memory_space<vmem>>
      %dma_start3A_155 = tpu.memref_squeeze %dma_start3A_154 : memref<1x128x128xf32, #tpu.memory_space<vmem>> -> memref<128x128xf32, #tpu.memory_space<vmem>>
      %dma_start3A_156 = arith.constant 0 : i32
      %dma_start3A_157 = tpu.memref_slice %arg6[%add3A_65, %dma_start3A_156] : memref<20480x128xf32, #tpu.memory_space<hbm>> -> memref<128x128xf32, #tpu.memory_space<hbm>>
      %dma_start3A_158 = arith.constant 0 : i32
      %dma_start3A_159 = tpu.memref_slice %arg6[%add3A_65, %dma_start3A_158] : memref<20480x128xf32, #tpu.memory_space<hbm>> -> memref<128x128xf32, #tpu.memory_space<hbm>>
      %dma_start3A_160 = arith.constant 0 : i32
      %dma_start3A_161 = arith.constant 0 : i32
      %dma_start3A_162 = tpu.memref_slice %arg11[%run_scoped3A_66, %dma_start3A_160, %dma_start3A_161] : memref<1x128x128xf32, #tpu.memory_space<vmem>> -> memref<1x128x128xf32, #tpu.memory_space<vmem>>
      %dma_start3A_163 = tpu.memref_squeeze %dma_start3A_162 : memref<1x128x128xf32, #tpu.memory_space<vmem>> -> memref<128x128xf32, #tpu.memory_space<vmem>>
      tpu.enqueue_dma source(%dma_start3A_163 : memref<128x128xf32, #tpu.memory_space<vmem>>) target(%dma_start3A_159 : memref<128x128xf32, #tpu.memory_space<hbm>>) target_semaphore(%run_scoped3A_151 : memref<!tpu.dma_semaphore, #tpu.memory_space<semaphore_mem>>)
      %dma_wait3A_164 = arith.constant 0 : i32
      %dma_wait3A_165 = arith.constant 0 : i32
      %dma_wait3A_166 = tpu.memref_slice %arg11[%run_scoped3A_66, %dma_wait3A_164, %dma_wait3A_165] : memref<1x128x128xf32, #tpu.memory_space<vmem>> -> memref<1x128x128xf32, #tpu.memory_space<vmem>>
      %dma_wait3A_167 = tpu.memref_squeeze %dma_wait3A_166 : memref<1x128x128xf32, #tpu.memory_space<vmem>> -> memref<128x128xf32, #tpu.memory_space<vmem>>
      %dma_wait3A_168 = arith.constant 0 : i32
      %dma_wait3A_169 = tpu.memref_slice %arg6[%add3A_65, %dma_wait3A_168] : memref<20480x128xf32, #tpu.memory_space<hbm>> -> memref<128x128xf32, #tpu.memory_space<hbm>>
      %dma_wait3A_170 = arith.constant 0 : i32
      %dma_wait3A_171 = tpu.memref_slice %arg6[%add3A_65, %dma_wait3A_170] : memref<20480x128xf32, #tpu.memory_space<hbm>> -> memref<128x128xf32, #tpu.memory_space<hbm>>
      %dma_wait3A_172 = arith.constant 0 : i32
      %dma_wait3A_173 = arith.constant 0 : i32
      %dma_wait3A_174 = tpu.memref_slice %arg11[%run_scoped3A_66, %dma_wait3A_172, %dma_wait3A_173] : memref<1x128x128xf32, #tpu.memory_space<vmem>> -> memref<1x128x128xf32, #tpu.memory_space<vmem>>
      %dma_wait3A_175 = tpu.memref_squeeze %dma_wait3A_174 : memref<1x128x128xf32, #tpu.memory_space<vmem>> -> memref<128x128xf32, #tpu.memory_space<vmem>>
      tpu.wait_dma2 semaphore(%run_scoped3A_151 : memref<!tpu.dma_semaphore, #tpu.memory_space<semaphore_mem>>) src(%dma_wait3A_175 : memref<128x128xf32, #tpu.memory_space<vmem>>) dst(%dma_wait3A_171 : memref<128x128xf32, #tpu.memory_space<hbm>>)
      tpu.yield
    }) : () -> ()
    %add3A_67 = arith.constant 128 : i32
    %add3A_68 = arith.addi %mul3A_7, %add3A_67 : i32
    "tpu.region"() ({
      %run_scoped3A_151 = tpu.sem_alloc : memref<!tpu.dma_semaphore, #tpu.memory_space<semaphore_mem>>
      %dma_start3A_152 = tpu.memref_slice %arg5[%add3A_68] : memref<10240xi32, #tpu.memory_space<hbm>> -> memref<128xi32, #tpu.memory_space<hbm>>
      %dma_start3A_153 = tpu.memref_slice %arg5[%add3A_68] : memref<10240xi32, #tpu.memory_space<hbm>> -> memref<128xi32, #tpu.memory_space<hbm>>
      tpu.enqueue_dma source(%dma_start3A_153 : memref<128xi32, #tpu.memory_space<hbm>>) target(%arg8 : memref<128xi32, #tpu.memory_space<vmem>>) target_semaphore(%run_scoped3A_151 : memref<!tpu.dma_semaphore, #tpu.memory_space<semaphore_mem>>)
      %dma_wait3A_154 = tpu.memref_slice %arg5[%add3A_68] : memref<10240xi32, #tpu.memory_space<hbm>> -> memref<128xi32, #tpu.memory_space<hbm>>
      %dma_wait3A_155 = tpu.memref_slice %arg5[%add3A_68] : memref<10240xi32, #tpu.memory_space<hbm>> -> memref<128xi32, #tpu.memory_space<hbm>>
      tpu.wait_dma2 semaphore(%run_scoped3A_151 : memref<!tpu.dma_semaphore, #tpu.memory_space<semaphore_mem>>) src(%dma_wait3A_155 : memref<128xi32, #tpu.memory_space<hbm>>) dst(%arg8 : memref<128xi32, #tpu.memory_space<vmem>>)
      tpu.yield
    }) : () -> ()
    %dma_start3A_69 = arith.constant 0 : i32
    %dma_start3A_70 = arith.constant 0 : i32
    %dma_start3A_71 = arith.constant 0 : i32
    %dma_start3A_72 = tpu.memref_slice %arg11[%dma_start3A_69, %dma_start3A_70, %dma_start3A_71] : memref<1x128x128xf32, #tpu.memory_space<vmem>> -> memref<1x128x128xf32, #tpu.memory_space<vmem>>
    %dma_start3A_73 = tpu.memref_squeeze %dma_start3A_72 : memref<1x128x128xf32, #tpu.memory_space<vmem>> -> memref<128x128xf32, #tpu.memory_space<vmem>>
    %dma_start3A_74 = arith.constant 0 : i32
    %dma_start3A_75 = arith.constant 0 : i32
    %dma_start3A_76 = tpu.memref_slice %arg13[%dma_start3A_74, %dma_start3A_75] : memref<10240x128xf32, #tpu.memory_space<vmem_shared>> -> memref<10240x128xf32, #tpu.memory_space<vmem_shared>>
    tpu.enqueue_indirect_dma source(%dma_start3A_76 : memref<10240x128xf32, #tpu.memory_space<vmem_shared>>) target(%dma_start3A_73 : memref<128x128xf32, #tpu.memory_space<vmem>>) offsets(%arg8 : memref<128xi32, #tpu.memory_space<vmem>>) semaphore(%arg14 : memref<!tpu.dma_semaphore, #tpu.memory_space<semaphore_mem>>)
    %dma_wait3A_77 = arith.constant 0 : i32
    %dma_wait3A_78 = arith.constant 0 : i32
    %dma_wait3A_79 = arith.constant 0 : i32
    %dma_wait3A_80 = tpu.memref_slice %arg11[%dma_wait3A_77, %dma_wait3A_78, %dma_wait3A_79] : memref<1x128x128xf32, #tpu.memory_space<vmem>> -> memref<1x128x128xf32, #tpu.memory_space<vmem>>
    %dma_wait3A_81 = tpu.memref_squeeze %dma_wait3A_80 : memref<1x128x128xf32, #tpu.memory_space<vmem>> -> memref<128x128xf32, #tpu.memory_space<vmem>>
    %dma_wait3A_82 = arith.constant 0 : i32
    %dma_wait3A_83 = arith.constant 0 : i32
    %dma_wait3A_84 = tpu.memref_slice %arg13[%dma_wait3A_82, %dma_wait3A_83] : memref<10240x128xf32, #tpu.memory_space<vmem_shared>> -> memref<10240x128xf32, #tpu.memory_space<vmem_shared>>
    tpu.wait_indirect_dma semaphore(%arg14 : memref<!tpu.dma_semaphore, #tpu.memory_space<semaphore_mem>>) src(%dma_wait3A_84 : memref<10240x128xf32, #tpu.memory_space<vmem_shared>>) dst(%dma_wait3A_81 : memref<128x128xf32, #tpu.memory_space<vmem>>)
    %add3A_85 = arith.constant 128 : i32
    %add3A_86 = arith.addi %add3A_47, %add3A_85 : i32
    %run_scoped3A_87 = arith.constant 0 : i32
    "tpu.region"() ({
      %run_scoped3A_151 = tpu.sem_alloc : memref<!tpu.dma_semaphore, #tpu.memory_space<semaphore_mem>>
      %dma_start3A_152 = arith.constant 0 : i32
      %dma_start3A_153 = arith.constant 0 : i32
      %dma_start3A_154 = tpu.memref_slice %arg11[%run_scoped3A_87, %dma_start3A_152, %dma_start3A_153] : memref<1x128x128xf32, #tpu.memory_space<vmem>> -> memref<1x128x128xf32, #tpu.memory_space<vmem>>
      %dma_start3A_155 = tpu.memref_squeeze %dma_start3A_154 : memref<1x128x128xf32, #tpu.memory_space<vmem>> -> memref<128x128xf32, #tpu.memory_space<vmem>>
      %dma_start3A_156 = arith.constant 0 : i32
      %dma_start3A_157 = tpu.memref_slice %arg6[%add3A_86, %dma_start3A_156] : memref<20480x128xf32, #tpu.memory_space<hbm>> -> memref<128x128xf32, #tpu.memory_space<hbm>>
      %dma_start3A_158 = arith.constant 0 : i32
      %dma_start3A_159 = tpu.memref_slice %arg6[%add3A_86, %dma_start3A_158] : memref<20480x128xf32, #tpu.memory_space<hbm>> -> memref<128x128xf32, #tpu.memory_space<hbm>>
      %dma_start3A_160 = arith.constant 0 : i32
      %dma_start3A_161 = arith.constant 0 : i32
      %dma_start3A_162 = tpu.memref_slice %arg11[%run_scoped3A_87, %dma_start3A_160, %dma_start3A_161] : memref<1x128x128xf32, #tpu.memory_space<vmem>> -> memref<1x128x128xf32, #tpu.memory_space<vmem>>
      %dma_start3A_163 = tpu.memref_squeeze %dma_start3A_162 : memref<1x128x128xf32, #tpu.memory_space<vmem>> -> memref<128x128xf32, #tpu.memory_space<vmem>>
      tpu.enqueue_dma source(%dma_start3A_163 : memref<128x128xf32, #tpu.memory_space<vmem>>) target(%dma_start3A_159 : memref<128x128xf32, #tpu.memory_space<hbm>>) target_semaphore(%run_scoped3A_151 : memref<!tpu.dma_semaphore, #tpu.memory_space<semaphore_mem>>)
      %dma_wait3A_164 = arith.constant 0 : i32
      %dma_wait3A_165 = arith.constant 0 : i32
      %dma_wait3A_166 = tpu.memref_slice %arg11[%run_scoped3A_87, %dma_wait3A_164, %dma_wait3A_165] : memref<1x128x128xf32, #tpu.memory_space<vmem>> -> memref<1x128x128xf32, #tpu.memory_space<vmem>>
      %dma_wait3A_167 = tpu.memref_squeeze %dma_wait3A_166 : memref<1x128x128xf32, #tpu.memory_space<vmem>> -> memref<128x128xf32, #tpu.memory_space<vmem>>
      %dma_wait3A_168 = arith.constant 0 : i32
      %dma_wait3A_169 = tpu.memref_slice %arg6[%add3A_86, %dma_wait3A_168] : memref<20480x128xf32, #tpu.memory_space<hbm>> -> memref<128x128xf32, #tpu.memory_space<hbm>>
      %dma_wait3A_170 = arith.constant 0 : i32
      %dma_wait3A_171 = tpu.memref_slice %arg6[%add3A_86, %dma_wait3A_170] : memref<20480x128xf32, #tpu.memory_space<hbm>> -> memref<128x128xf32, #tpu.memory_space<hbm>>
      %dma_wait3A_172 = arith.constant 0 : i32
      %dma_wait3A_173 = arith.constant 0 : i32
      %dma_wait3A_174 = tpu.memref_slice %arg11[%run_scoped3A_87, %dma_wait3A_172, %dma_wait3A_173] : memref<1x128x128xf32, #tpu.memory_space<vmem>> -> memref<1x128x128xf32, #tpu.memory_space<vmem>>
      %dma_wait3A_175 = tpu.memref_squeeze %dma_wait3A_174 : memref<1x128x128xf32, #tpu.memory_space<vmem>> -> memref<128x128xf32, #tpu.memory_space<vmem>>
      tpu.wait_dma2 semaphore(%run_scoped3A_151 : memref<!tpu.dma_semaphore, #tpu.memory_space<semaphore_mem>>) src(%dma_wait3A_175 : memref<128x128xf32, #tpu.memory_space<vmem>>) dst(%dma_wait3A_171 : memref<128x128xf32, #tpu.memory_space<hbm>>)
      tpu.yield
    }) : () -> ()
    %add3A_88 = arith.constant 256 : i32
    %add3A_89 = arith.addi %mul3A_7, %add3A_88 : i32
    "tpu.region"() ({
      %run_scoped3A_151 = tpu.sem_alloc : memref<!tpu.dma_semaphore, #tpu.memory_space<semaphore_mem>>
      %dma_start3A_152 = tpu.memref_slice %arg5[%add3A_89] : memref<10240xi32, #tpu.memory_space<hbm>> -> memref<128xi32, #tpu.memory_space<hbm>>
      %dma_start3A_153 = tpu.memref_slice %arg5[%add3A_89] : memref<10240xi32, #tpu.memory_space<hbm>> -> memref<128xi32, #tpu.memory_space<hbm>>
      tpu.enqueue_dma source(%dma_start3A_153 : memref<128xi32, #tpu.memory_space<hbm>>) target(%arg8 : memref<128xi32, #tpu.memory_space<vmem>>) target_semaphore(%run_scoped3A_151 : memref<!tpu.dma_semaphore, #tpu.memory_space<semaphore_mem>>)
      %dma_wait3A_154 = tpu.memref_slice %arg5[%add3A_89] : memref<10240xi32, #tpu.memory_space<hbm>> -> memref<128xi32, #tpu.memory_space<hbm>>
      %dma_wait3A_155 = tpu.memref_slice %arg5[%add3A_89] : memref<10240xi32, #tpu.memory_space<hbm>> -> memref<128xi32, #tpu.memory_space<hbm>>
      tpu.wait_dma2 semaphore(%run_scoped3A_151 : memref<!tpu.dma_semaphore, #tpu.memory_space<semaphore_mem>>) src(%dma_wait3A_155 : memref<128xi32, #tpu.memory_space<hbm>>) dst(%arg8 : memref<128xi32, #tpu.memory_space<vmem>>)
      tpu.yield
    }) : () -> ()
    %dma_start3A_90 = arith.constant 0 : i32
    %dma_start3A_91 = arith.constant 0 : i32
    %dma_start3A_92 = arith.constant 0 : i32
    %dma_start3A_93 = tpu.memref_slice %arg11[%dma_start3A_90, %dma_start3A_91, %dma_start3A_92] : memref<1x128x128xf32, #tpu.memory_space<vmem>> -> memref<1x128x128xf32, #tpu.memory_space<vmem>>
    %dma_start3A_94 = tpu.memref_squeeze %dma_start3A_93 : memref<1x128x128xf32, #tpu.memory_space<vmem>> -> memref<128x128xf32, #tpu.memory_space<vmem>>
    %dma_start3A_95 = arith.constant 0 : i32
    %dma_start3A_96 = arith.constant 0 : i32
    %dma_start3A_97 = tpu.memref_slice %arg13[%dma_start3A_95, %dma_start3A_96] : memref<10240x128xf32, #tpu.memory_space<vmem_shared>> -> memref<10240x128xf32, #tpu.memory_space<vmem_shared>>
    tpu.enqueue_indirect_dma source(%dma_start3A_97 : memref<10240x128xf32, #tpu.memory_space<vmem_shared>>) target(%dma_start3A_94 : memref<128x128xf32, #tpu.memory_space<vmem>>) offsets(%arg8 : memref<128xi32, #tpu.memory_space<vmem>>) semaphore(%arg14 : memref<!tpu.dma_semaphore, #tpu.memory_space<semaphore_mem>>)
    %dma_wait3A_98 = arith.constant 0 : i32
    %dma_wait3A_99 = arith.constant 0 : i32
    %dma_wait3A_100 = arith.constant 0 : i32
    %dma_wait3A_101 = tpu.memref_slice %arg11[%dma_wait3A_98, %dma_wait3A_99, %dma_wait3A_100] : memref<1x128x128xf32, #tpu.memory_space<vmem>> -> memref<1x128x128xf32, #tpu.memory_space<vmem>>
    %dma_wait3A_102 = tpu.memref_squeeze %dma_wait3A_101 : memref<1x128x128xf32, #tpu.memory_space<vmem>> -> memref<128x128xf32, #tpu.memory_space<vmem>>
    %dma_wait3A_103 = arith.constant 0 : i32
    %dma_wait3A_104 = arith.constant 0 : i32
    %dma_wait3A_105 = tpu.memref_slice %arg13[%dma_wait3A_103, %dma_wait3A_104] : memref<10240x128xf32, #tpu.memory_space<vmem_shared>> -> memref<10240x128xf32, #tpu.memory_space<vmem_shared>>
    tpu.wait_indirect_dma semaphore(%arg14 : memref<!tpu.dma_semaphore, #tpu.memory_space<semaphore_mem>>) src(%dma_wait3A_105 : memref<10240x128xf32, #tpu.memory_space<vmem_shared>>) dst(%dma_wait3A_102 : memref<128x128xf32, #tpu.memory_space<vmem>>)
    %add3A_106 = arith.constant 256 : i32
    %add3A_107 = arith.addi %add3A_47, %add3A_106 : i32
    %run_scoped3A_108 = arith.constant 0 : i32
    "tpu.region"() ({
      %run_scoped3A_151 = tpu.sem_alloc : memref<!tpu.dma_semaphore, #tpu.memory_space<semaphore_mem>>
      %dma_start3A_152 = arith.constant 0 : i32
      %dma_start3A_153 = arith.constant 0 : i32
      %dma_start3A_154 = tpu.memref_slice %arg11[%run_scoped3A_108, %dma_start3A_152, %dma_start3A_153] : memref<1x128x128xf32, #tpu.memory_space<vmem>> -> memref<1x128x128xf32, #tpu.memory_space<vmem>>
      %dma_start3A_155 = tpu.memref_squeeze %dma_start3A_154 : memref<1x128x128xf32, #tpu.memory_space<vmem>> -> memref<128x128xf32, #tpu.memory_space<vmem>>
      %dma_start3A_156 = arith.constant 0 : i32
      %dma_start3A_157 = tpu.memref_slice %arg6[%add3A_107, %dma_start3A_156] : memref<20480x128xf32, #tpu.memory_space<hbm>> -> memref<128x128xf32, #tpu.memory_space<hbm>>
      %dma_start3A_158 = arith.constant 0 : i32
      %dma_start3A_159 = tpu.memref_slice %arg6[%add3A_107, %dma_start3A_158] : memref<20480x128xf32, #tpu.memory_space<hbm>> -> memref<128x128xf32, #tpu.memory_space<hbm>>
      %dma_start3A_160 = arith.constant 0 : i32
      %dma_start3A_161 = arith.constant 0 : i32
      %dma_start3A_162 = tpu.memref_slice %arg11[%run_scoped3A_108, %dma_start3A_160, %dma_start3A_161] : memref<1x128x128xf32, #tpu.memory_space<vmem>> -> memref<1x128x128xf32, #tpu.memory_space<vmem>>
      %dma_start3A_163 = tpu.memref_squeeze %dma_start3A_162 : memref<1x128x128xf32, #tpu.memory_space<vmem>> -> memref<128x128xf32, #tpu.memory_space<vmem>>
      tpu.enqueue_dma source(%dma_start3A_163 : memref<128x128xf32, #tpu.memory_space<vmem>>) target(%dma_start3A_159 : memref<128x128xf32, #tpu.memory_space<hbm>>) target_semaphore(%run_scoped3A_151 : memref<!tpu.dma_semaphore, #tpu.memory_space<semaphore_mem>>)
      %dma_wait3A_164 = arith.constant 0 : i32
      %dma_wait3A_165 = arith.constant 0 : i32
      %dma_wait3A_166 = tpu.memref_slice %arg11[%run_scoped3A_108, %dma_wait3A_164, %dma_wait3A_165] : memref<1x128x128xf32, #tpu.memory_space<vmem>> -> memref<1x128x128xf32, #tpu.memory_space<vmem>>
      %dma_wait3A_167 = tpu.memref_squeeze %dma_wait3A_166 : memref<1x128x128xf32, #tpu.memory_space<vmem>> -> memref<128x128xf32, #tpu.memory_space<vmem>>
      %dma_wait3A_168 = arith.constant 0 : i32
      %dma_wait3A_169 = tpu.memref_slice %arg6[%add3A_107, %dma_wait3A_168] : memref<20480x128xf32, #tpu.memory_space<hbm>> -> memref<128x128xf32, #tpu.memory_space<hbm>>
      %dma_wait3A_170 = arith.constant 0 : i32
      %dma_wait3A_171 = tpu.memref_slice %arg6[%add3A_107, %dma_wait3A_170] : memref<20480x128xf32, #tpu.memory_space<hbm>> -> memref<128x128xf32, #tpu.memory_space<hbm>>
      %dma_wait3A_172 = arith.constant 0 : i32
      %dma_wait3A_173 = arith.constant 0 : i32
      %dma_wait3A_174 = tpu.memref_slice %arg11[%run_scoped3A_108, %dma_wait3A_172, %dma_wait3A_173] : memref<1x128x128xf32, #tpu.memory_space<vmem>> -> memref<1x128x128xf32, #tpu.memory_space<vmem>>
      %dma_wait3A_175 = tpu.memref_squeeze %dma_wait3A_174 : memref<1x128x128xf32, #tpu.memory_space<vmem>> -> memref<128x128xf32, #tpu.memory_space<vmem>>
      tpu.wait_dma2 semaphore(%run_scoped3A_151 : memref<!tpu.dma_semaphore, #tpu.memory_space<semaphore_mem>>) src(%dma_wait3A_175 : memref<128x128xf32, #tpu.memory_space<vmem>>) dst(%dma_wait3A_171 : memref<128x128xf32, #tpu.memory_space<hbm>>)
      tpu.yield
    }) : () -> ()
    %add3A_109 = arith.constant 384 : i32
    %add3A_110 = arith.addi %mul3A_7, %add3A_109 : i32
    "tpu.region"() ({
      %run_scoped3A_151 = tpu.sem_alloc : memref<!tpu.dma_semaphore, #tpu.memory_space<semaphore_mem>>
      %dma_start3A_152 = tpu.memref_slice %arg5[%add3A_110] : memref<10240xi32, #tpu.memory_space<hbm>> -> memref<128xi32, #tpu.memory_space<hbm>>
      %dma_start3A_153 = tpu.memref_slice %arg5[%add3A_110] : memref<10240xi32, #tpu.memory_space<hbm>> -> memref<128xi32, #tpu.memory_space<hbm>>
      tpu.enqueue_dma source(%dma_start3A_153 : memref<128xi32, #tpu.memory_space<hbm>>) target(%arg8 : memref<128xi32, #tpu.memory_space<vmem>>) target_semaphore(%run_scoped3A_151 : memref<!tpu.dma_semaphore, #tpu.memory_space<semaphore_mem>>)
      %dma_wait3A_154 = tpu.memref_slice %arg5[%add3A_110] : memref<10240xi32, #tpu.memory_space<hbm>> -> memref<128xi32, #tpu.memory_space<hbm>>
      %dma_wait3A_155 = tpu.memref_slice %arg5[%add3A_110] : memref<10240xi32, #tpu.memory_space<hbm>> -> memref<128xi32, #tpu.memory_space<hbm>>
      tpu.wait_dma2 semaphore(%run_scoped3A_151 : memref<!tpu.dma_semaphore, #tpu.memory_space<semaphore_mem>>) src(%dma_wait3A_155 : memref<128xi32, #tpu.memory_space<hbm>>) dst(%arg8 : memref<128xi32, #tpu.memory_space<vmem>>)
      tpu.yield
    }) : () -> ()
    %dma_start3A_111 = arith.constant 0 : i32
    %dma_start3A_112 = arith.constant 0 : i32
    %dma_start3A_113 = arith.constant 0 : i32
    %dma_start3A_114 = tpu.memref_slice %arg11[%dma_start3A_111, %dma_start3A_112, %dma_start3A_113] : memref<1x128x128xf32, #tpu.memory_space<vmem>> -> memref<1x128x128xf32, #tpu.memory_space<vmem>>
    %dma_start3A_115 = tpu.memref_squeeze %dma_start3A_114 : memref<1x128x128xf32, #tpu.memory_space<vmem>> -> memref<128x128xf32, #tpu.memory_space<vmem>>
    %dma_start3A_116 = arith.constant 0 : i32
    %dma_start3A_117 = arith.constant 0 : i32
    %dma_start3A_118 = tpu.memref_slice %arg13[%dma_start3A_116, %dma_start3A_117] : memref<10240x128xf32, #tpu.memory_space<vmem_shared>> -> memref<10240x128xf32, #tpu.memory_space<vmem_shared>>
    tpu.enqueue_indirect_dma source(%dma_start3A_118 : memref<10240x128xf32, #tpu.memory_space<vmem_shared>>) target(%dma_start3A_115 : memref<128x128xf32, #tpu.memory_space<vmem>>) offsets(%arg8 : memref<128xi32, #tpu.memory_space<vmem>>) semaphore(%arg14 : memref<!tpu.dma_semaphore, #tpu.memory_space<semaphore_mem>>)
    %dma_wait3A_119 = arith.constant 0 : i32
    %dma_wait3A_120 = arith.constant 0 : i32
    %dma_wait3A_121 = arith.constant 0 : i32
    %dma_wait3A_122 = tpu.memref_slice %arg11[%dma_wait3A_119, %dma_wait3A_120, %dma_wait3A_121] : memref<1x128x128xf32, #tpu.memory_space<vmem>> -> memref<1x128x128xf32, #tpu.memory_space<vmem>>
    %dma_wait3A_123 = tpu.memref_squeeze %dma_wait3A_122 : memref<1x128x128xf32, #tpu.memory_space<vmem>> -> memref<128x128xf32, #tpu.memory_space<vmem>>
    %dma_wait3A_124 = arith.constant 0 : i32
    %dma_wait3A_125 = arith.constant 0 : i32
    %dma_wait3A_126 = tpu.memref_slice %arg13[%dma_wait3A_124, %dma_wait3A_125] : memref<10240x128xf32, #tpu.memory_space<vmem_shared>> -> memref<10240x128xf32, #tpu.memory_space<vmem_shared>>
    tpu.wait_indirect_dma semaphore(%arg14 : memref<!tpu.dma_semaphore, #tpu.memory_space<semaphore_mem>>) src(%dma_wait3A_126 : memref<10240x128xf32, #tpu.memory_space<vmem_shared>>) dst(%dma_wait3A_123 : memref<128x128xf32, #tpu.memory_space<vmem>>)
    %add3A_127 = arith.constant 384 : i32
    %add3A_128 = arith.addi %add3A_47, %add3A_127 : i32
    %run_scoped3A_129 = arith.constant 0 : i32
    "tpu.region"() ({
      %run_scoped3A_151 = tpu.sem_alloc : memref<!tpu.dma_semaphore, #tpu.memory_space<semaphore_mem>>
      %dma_start3A_152 = arith.constant 0 : i32
      %dma_start3A_153 = arith.constant 0 : i32
      %dma_start3A_154 = tpu.memref_slice %arg11[%run_scoped3A_129, %dma_start3A_152, %dma_start3A_153] : memref<1x128x128xf32, #tpu.memory_space<vmem>> -> memref<1x128x128xf32, #tpu.memory_space<vmem>>
      %dma_start3A_155 = tpu.memref_squeeze %dma_start3A_154 : memref<1x128x128xf32, #tpu.memory_space<vmem>> -> memref<128x128xf32, #tpu.memory_space<vmem>>
      %dma_start3A_156 = arith.constant 0 : i32
      %dma_start3A_157 = tpu.memref_slice %arg6[%add3A_128, %dma_start3A_156] : memref<20480x128xf32, #tpu.memory_space<hbm>> -> memref<128x128xf32, #tpu.memory_space<hbm>>
      %dma_start3A_158 = arith.constant 0 : i32
      %dma_start3A_159 = tpu.memref_slice %arg6[%add3A_128, %dma_start3A_158] : memref<20480x128xf32, #tpu.memory_space<hbm>> -> memref<128x128xf32, #tpu.memory_space<hbm>>
      %dma_start3A_160 = arith.constant 0 : i32
      %dma_start3A_161 = arith.constant 0 : i32
      %dma_start3A_162 = tpu.memref_slice %arg11[%run_scoped3A_129, %dma_start3A_160, %dma_start3A_161] : memref<1x128x128xf32, #tpu.memory_space<vmem>> -> memref<1x128x128xf32, #tpu.memory_space<vmem>>
      %dma_start3A_163 = tpu.memref_squeeze %dma_start3A_162 : memref<1x128x128xf32, #tpu.memory_space<vmem>> -> memref<128x128xf32, #tpu.memory_space<vmem>>
      tpu.enqueue_dma source(%dma_start3A_163 : memref<128x128xf32, #tpu.memory_space<vmem>>) target(%dma_start3A_159 : memref<128x128xf32, #tpu.memory_space<hbm>>) target_semaphore(%run_scoped3A_151 : memref<!tpu.dma_semaphore, #tpu.memory_space<semaphore_mem>>)
      %dma_wait3A_164 = arith.constant 0 : i32
      %dma_wait3A_165 = arith.constant 0 : i32
      %dma_wait3A_166 = tpu.memref_slice %arg11[%run_scoped3A_129, %dma_wait3A_164, %dma_wait3A_165] : memref<1x128x128xf32, #tpu.memory_space<vmem>> -> memref<1x128x128xf32, #tpu.memory_space<vmem>>
      %dma_wait3A_167 = tpu.memref_squeeze %dma_wait3A_166 : memref<1x128x128xf32, #tpu.memory_space<vmem>> -> memref<128x128xf32, #tpu.memory_space<vmem>>
      %dma_wait3A_168 = arith.constant 0 : i32
      %dma_wait3A_169 = tpu.memref_slice %arg6[%add3A_128, %dma_wait3A_168] : memref<20480x128xf32, #tpu.memory_space<hbm>> -> memref<128x128xf32, #tpu.memory_space<hbm>>
      %dma_wait3A_170 = arith.constant 0 : i32
      %dma_wait3A_171 = tpu.memref_slice %arg6[%add3A_128, %dma_wait3A_170] : memref<20480x128xf32, #tpu.memory_space<hbm>> -> memref<128x128xf32, #tpu.memory_space<hbm>>
      %dma_wait3A_172 = arith.constant 0 : i32
      %dma_wait3A_173 = arith.constant 0 : i32
      %dma_wait3A_174 = tpu.memref_slice %arg11[%run_scoped3A_129, %dma_wait3A_172, %dma_wait3A_173] : memref<1x128x128xf32, #tpu.memory_space<vmem>> -> memref<1x128x128xf32, #tpu.memory_space<vmem>>
      %dma_wait3A_175 = tpu.memref_squeeze %dma_wait3A_174 : memref<1x128x128xf32, #tpu.memory_space<vmem>> -> memref<128x128xf32, #tpu.memory_space<vmem>>
      tpu.wait_dma2 semaphore(%run_scoped3A_151 : memref<!tpu.dma_semaphore, #tpu.memory_space<semaphore_mem>>) src(%dma_wait3A_175 : memref<128x128xf32, #tpu.memory_space<vmem>>) dst(%dma_wait3A_171 : memref<128x128xf32, #tpu.memory_space<hbm>>)
      tpu.yield
    }) : () -> ()
    %add3A_130 = arith.constant 512 : i32
    %add3A_131 = arith.addi %mul3A_7, %add3A_130 : i32
    "tpu.region"() ({
      %run_scoped3A_151 = tpu.sem_alloc : memref<!tpu.dma_semaphore, #tpu.memory_space<semaphore_mem>>
      %dma_start3A_152 = tpu.memref_slice %arg5[%add3A_131] : memref<10240xi32, #tpu.memory_space<hbm>> -> memref<128xi32, #tpu.memory_space<hbm>>
      %dma_start3A_153 = tpu.memref_slice %arg5[%add3A_131] : memref<10240xi32, #tpu.memory_space<hbm>> -> memref<128xi32, #tpu.memory_space<hbm>>
      tpu.enqueue_dma source(%dma_start3A_153 : memref<128xi32, #tpu.memory_space<hbm>>) target(%arg8 : memref<128xi32, #tpu.memory_space<vmem>>) target_semaphore(%run_scoped3A_151 : memref<!tpu.dma_semaphore, #tpu.memory_space<semaphore_mem>>)
      %dma_wait3A_154 = tpu.memref_slice %arg5[%add3A_131] : memref<10240xi32, #tpu.memory_space<hbm>> -> memref<128xi32, #tpu.memory_space<hbm>>
      %dma_wait3A_155 = tpu.memref_slice %arg5[%add3A_131] : memref<10240xi32, #tpu.memory_space<hbm>> -> memref<128xi32, #tpu.memory_space<hbm>>
      tpu.wait_dma2 semaphore(%run_scoped3A_151 : memref<!tpu.dma_semaphore, #tpu.memory_space<semaphore_mem>>) src(%dma_wait3A_155 : memref<128xi32, #tpu.memory_space<hbm>>) dst(%arg8 : memref<128xi32, #tpu.memory_space<vmem>>)
      tpu.yield
    }) : () -> ()
    %dma_start3A_132 = arith.constant 0 : i32
    %dma_start3A_133 = arith.constant 0 : i32
    %dma_start3A_134 = arith.constant 0 : i32
    %dma_start3A_135 = tpu.memref_slice %arg11[%dma_start3A_132, %dma_start3A_133, %dma_start3A_134] : memref<1x128x128xf32, #tpu.memory_space<vmem>> -> memref<1x128x128xf32, #tpu.memory_space<vmem>>
    %dma_start3A_136 = tpu.memref_squeeze %dma_start3A_135 : memref<1x128x128xf32, #tpu.memory_space<vmem>> -> memref<128x128xf32, #tpu.memory_space<vmem>>
    %dma_start3A_137 = arith.constant 0 : i32
    %dma_start3A_138 = arith.constant 0 : i32
    %dma_start3A_139 = tpu.memref_slice %arg13[%dma_start3A_137, %dma_start3A_138] : memref<10240x128xf32, #tpu.memory_space<vmem_shared>> -> memref<10240x128xf32, #tpu.memory_space<vmem_shared>>
    tpu.enqueue_indirect_dma source(%dma_start3A_139 : memref<10240x128xf32, #tpu.memory_space<vmem_shared>>) target(%dma_start3A_136 : memref<128x128xf32, #tpu.memory_space<vmem>>) offsets(%arg8 : memref<128xi32, #tpu.memory_space<vmem>>) semaphore(%arg14 : memref<!tpu.dma_semaphore, #tpu.memory_space<semaphore_mem>>)
    %dma_wait3A_140 = arith.constant 0 : i32
    %dma_wait3A_141 = arith.constant 0 : i32
    %dma_wait3A_142 = arith.constant 0 : i32
    %dma_wait3A_143 = tpu.memref_slice %arg11[%dma_wait3A_140, %dma_wait3A_141, %dma_wait3A_142] : memref<1x128x128xf32, #tpu.memory_space<vmem>> -> memref<1x128x128xf32, #tpu.memory_space<vmem>>
    %dma_wait3A_144 = tpu.memref_squeeze %dma_wait3A_143 : memref<1x128x128xf32, #tpu.memory_space<vmem>> -> memref<128x128xf32, #tpu.memory_space<vmem>>
    %dma_wait3A_145 = arith.constant 0 : i32
    %dma_wait3A_146 = arith.constant 0 : i32
    %dma_wait3A_147 = tpu.memref_slice %arg13[%dma_wait3A_145, %dma_wait3A_146] : memref<10240x128xf32, #tpu.memory_space<vmem_shared>> -> memref<10240x128xf32, #tpu.memory_space<vmem_shared>>
    tpu.wait_indirect_dma semaphore(%arg14 : memref<!tpu.dma_semaphore, #tpu.memory_space<semaphore_mem>>) src(%dma_wait3A_147 : memref<10240x128xf32, #tpu.memory_space<vmem_shared>>) dst(%dma_wait3A_144 : memref<128x128xf32, #tpu.memory_space<vmem>>)
    %add3A_148 = arith.constant 512 : i32
    %add3A_149 = arith.addi %add3A_47, %add3A_148 : i32
    %run_scoped3A_150 = arith.constant 0 : i32
    "tpu.region"() ({
      %run_scoped3A_151 = tpu.sem_alloc : memref<!tpu.dma_semaphore, #tpu.memory_space<semaphore_mem>>
      %dma_start3A_152 = arith.constant 0 : i32
      %dma_start3A_153 = arith.constant 0 : i32
      %dma_start3A_154 = tpu.memref_slice %arg11[%run_scoped3A_150, %dma_start3A_152, %dma_start3A_153] : memref<1x128x128xf32, #tpu.memory_space<vmem>> -> memref<1x128x128xf32, #tpu.memory_space<vmem>>
      %dma_start3A_155 = tpu.memref_squeeze %dma_start3A_154 : memref<1x128x128xf32, #tpu.memory_space<vmem>> -> memref<128x128xf32, #tpu.memory_space<vmem>>
      %dma_start3A_156 = arith.constant 0 : i32
      %dma_start3A_157 = tpu.memref_slice %arg6[%add3A_149, %dma_start3A_156] : memref<20480x128xf32, #tpu.memory_space<hbm>> -> memref<128x128xf32, #tpu.memory_space<hbm>>
      %dma_start3A_158 = arith.constant 0 : i32
      %dma_start3A_159 = tpu.memref_slice %arg6[%add3A_149, %dma_start3A_158] : memref<20480x128xf32, #tpu.memory_space<hbm>> -> memref<128x128xf32, #tpu.memory_space<hbm>>
      %dma_start3A_160 = arith.constant 0 : i32
      %dma_start3A_161 = arith.constant 0 : i32
      %dma_start3A_162 = tpu.memref_slice %arg11[%run_scoped3A_150, %dma_start3A_160, %dma_start3A_161] : memref<1x128x128xf32, #tpu.memory_space<vmem>> -> memref<1x128x128xf32, #tpu.memory_space<vmem>>
      %dma_start3A_163 = tpu.memref_squeeze %dma_start3A_162 : memref<1x128x128xf32, #tpu.memory_space<vmem>> -> memref<128x128xf32, #tpu.memory_space<vmem>>
      tpu.enqueue_dma source(%dma_start3A_163 : memref<128x128xf32, #tpu.memory_space<vmem>>) target(%dma_start3A_159 : memref<128x128xf32, #tpu.memory_space<hbm>>) target_semaphore(%run_scoped3A_151 : memref<!tpu.dma_semaphore, #tpu.memory_space<semaphore_mem>>)
      %dma_wait3A_164 = arith.constant 0 : i32
      %dma_wait3A_165 = arith.constant 0 : i32
      %dma_wait3A_166 = tpu.memref_slice %arg11[%run_scoped3A_150, %dma_wait3A_164, %dma_wait3A_165] : memref<1x128x128xf32, #tpu.memory_space<vmem>> -> memref<1x128x128xf32, #tpu.memory_space<vmem>>
      %dma_wait3A_167 = tpu.memref_squeeze %dma_wait3A_166 : memref<1x128x128xf32, #tpu.memory_space<vmem>> -> memref<128x128xf32, #tpu.memory_space<vmem>>
      %dma_wait3A_168 = arith.constant 0 : i32
      %dma_wait3A_169 = tpu.memref_slice %arg6[%add3A_149, %dma_wait3A_168] : memref<20480x128xf32, #tpu.memory_space<hbm>> -> memref<128x128xf32, #tpu.memory_space<hbm>>
      %dma_wait3A_170 = arith.constant 0 : i32
      %dma_wait3A_171 = tpu.memref_slice %arg6[%add3A_149, %dma_wait3A_170] : memref<20480x128xf32, #tpu.memory_space<hbm>> -> memref<128x128xf32, #tpu.memory_space<hbm>>
      %dma_wait3A_172 = arith.constant 0 : i32
      %dma_wait3A_173 = arith.constant 0 : i32
      %dma_wait3A_174 = tpu.memref_slice %arg11[%run_scoped3A_150, %dma_wait3A_172, %dma_wait3A_173] : memref<1x128x128xf32, #tpu.memory_space<vmem>> -> memref<1x128x128xf32, #tpu.memory_space<vmem>>
      %dma_wait3A_175 = tpu.memref_squeeze %dma_wait3A_174 : memref<1x128x128xf32, #tpu.memory_space<vmem>> -> memref<128x128xf32, #tpu.memory_space<vmem>>
      tpu.wait_dma2 semaphore(%run_scoped3A_151 : memref<!tpu.dma_semaphore, #tpu.memory_space<semaphore_mem>>) src(%dma_wait3A_175 : memref<128x128xf32, #tpu.memory_space<vmem>>) dst(%dma_wait3A_171 : memref<128x128xf32, #tpu.memory_space<hbm>>)
      tpu.yield
    }) : () -> ()
    return
  }
}

module attributes {stable_mosaic.version = 14 : i64} {
  func.func @_tc_body(%arg0: i32, %arg1: memref<1000x128xf32, #tpu.memory_space<vmem>>, %arg2: memref<1000x128xf32, #tpu.memory_space<vmem>>, %arg3: memref<1000x128xf32, #tpu.memory_space<vmem>>, %arg4: memref<1000x32xf32, #tpu.memory_space<vmem>>, %arg5: memref<128x128xf32, #tpu.memory_space<vmem>>, %arg6: memref<128x128xf32, #tpu.memory_space<vmem>>, %arg7: memref<1x128xf32, #tpu.memory_space<vmem>>, %arg8: memref<128x1xf32, #tpu.memory_space<vmem>>, %arg9: memref<1x1xf32, #tpu.memory_space<vmem>>, %arg10: memref<1000x1xf32, #tpu.memory_space<vmem>>) attributes {dimension_semantics = [#tpu.dimension_semantics<arbitrary>], iteration_bounds = array<i64: 10>, scalar_prefetch = 0 : i64, scratch_operands = 0 : i64, tpu.core_type = #tpu.core_type<tc>, window_params = [{transform_indices = @transform_0, window_bounds = array<i64: 1000, 128>}, {transform_indices = @transform_1, window_bounds = array<i64: 1000, 128>}, {transform_indices = @transform_2, window_bounds = array<i64: 1000, 128>}, {transform_indices = @transform_3, window_bounds = array<i64: 1000, 32>}, {pipeline_mode = #tpu.pipeline_mode<synchronous>, transform_indices = @transform_4, window_bounds = array<i64: 128, 128>}, {pipeline_mode = #tpu.pipeline_mode<synchronous>, transform_indices = @transform_5, window_bounds = array<i64: 128, 128>}, {pipeline_mode = #tpu.pipeline_mode<synchronous>, transform_indices = @transform_6, window_bounds = array<i64: 1, 128>}, {pipeline_mode = #tpu.pipeline_mode<synchronous>, transform_indices = @transform_7, window_bounds = array<i64: 128, 1>}, {pipeline_mode = #tpu.pipeline_mode<synchronous>, transform_indices = @transform_8, window_bounds = array<i64: 1, 1>}, {transform_indices = @transform_9, window_bounds = array<i64: 1000, 1>}]} {
    %get3A = arith.constant 0 : index
    %get3A_0 = arith.constant 0 : index
    %get3A_1 = vector.load %arg2[%get3A, %get3A_0] : memref<1000x128xf32, #tpu.memory_space<vmem>>, vector<1000x128xf32>
    %get3A_2 = arith.constant 0 : index
    %get3A_3 = arith.constant 0 : index
    %get3A_4 = vector.load %arg3[%get3A_2, %get3A_3] : memref<1000x128xf32, #tpu.memory_space<vmem>>, vector<1000x128xf32>
    %add3A = arith.addf %get3A_1, %get3A_4 : vector<1000x128xf32>
    %get3A_5 = arith.constant 0 : index
    %get3A_6 = arith.constant 0 : index
    %get3A_7 = vector.load %arg4[%get3A_5, %get3A_6] : memref<1000x32xf32, #tpu.memory_space<vmem>>, vector<1000x32xf32>
    %reduce_sum3A = arith.constant dense<0.000000e+00> : vector<1000xf32>
    %reduce_sum3A_8 = vector.multi_reduction <add>, %get3A_7, %reduce_sum3A [1] : vector<1000x32xf32> to vector<1000xf32>
    %max3A = arith.constant 1.000000e+00 : f32
    %max3A_9 = vector.broadcast %max3A : f32 to vector<1000xf32>
    %max3A_10 = arith.maximumf %reduce_sum3A_8, %max3A_9 : vector<1000xf32>
    %broadcast_in_dim3A = vector.shape_cast %max3A_10 : vector<1000xf32> to vector<1000x1xf32>
    %div3A = vector.broadcast %broadcast_in_dim3A : vector<1000x1xf32> to vector<1000x128xf32>
    %div3A_11 = arith.divf %add3A, %div3A : vector<1000x128xf32>
    %get3A_12 = arith.constant 0 : index
    %get3A_13 = arith.constant 0 : index
    %get3A_14 = vector.load %arg1[%get3A_12, %get3A_13] : memref<1000x128xf32, #tpu.memory_space<vmem>>, vector<1000x128xf32>
    %get3A_15 = arith.constant 0 : index
    %get3A_16 = arith.constant 0 : index
    %get3A_17 = vector.load %arg5[%get3A_15, %get3A_16] : memref<128x128xf32, #tpu.memory_space<vmem>>, vector<128x128xf32>
    %dot_general3A = arith.constant dense<0.000000e+00> : vector<1000x128xf32>
    %dot_general3A_18 = tpu.matmul %get3A_14, %get3A_17, %dot_general3A {dimension_numbers = #tpu.dot_dimension_numbers<[1], [0], [0], [1], [0, 0, 1, 1], [], []>, transpose_lhs_hint = false} : vector<1000x128xf32>, vector<128x128xf32>, vector<1000x128xf32> -> vector<1000x128xf32>
    %get3A_19 = arith.constant 0 : index
    %get3A_20 = arith.constant 0 : index
    %get3A_21 = vector.load %arg6[%get3A_19, %get3A_20] : memref<128x128xf32, #tpu.memory_space<vmem>>, vector<128x128xf32>
    %dot_general3A_22 = arith.constant dense<0.000000e+00> : vector<1000x128xf32>
    %dot_general3A_23 = tpu.matmul %div3A_11, %get3A_21, %dot_general3A_22 {dimension_numbers = #tpu.dot_dimension_numbers<[1], [0], [0], [1], [0, 0, 1, 1], [], []>, transpose_lhs_hint = false} : vector<1000x128xf32>, vector<128x128xf32>, vector<1000x128xf32> -> vector<1000x128xf32>
    %add3A_24 = arith.addf %dot_general3A_18, %dot_general3A_23 : vector<1000x128xf32>
    %get3A_25 = arith.constant 0 : index
    %get3A_26 = arith.constant 0 : index
    %get3A_27 = vector.load %arg7[%get3A_25, %get3A_26] : memref<1x128xf32, #tpu.memory_space<vmem>>, vector<1x128xf32>
    %add3A_28 = vector.broadcast %get3A_27 : vector<1x128xf32> to vector<1000x128xf32>
    %add3A_29 = arith.addf %add3A_24, %add3A_28 : vector<1000x128xf32>
    %max3A_30 = arith.constant 0.000000e+00 : f32
    %max3A_31 = vector.broadcast %max3A_30 : f32 to vector<1000x128xf32>
    %max3A_32 = arith.maximumf %add3A_29, %max3A_31 : vector<1000x128xf32>
    %get3A_33 = arith.constant 0 : index
    %get3A_34 = arith.constant 0 : index
    %get3A_35 = vector.load %arg8[%get3A_33, %get3A_34] : memref<128x1xf32, #tpu.memory_space<vmem>>, vector<128x1xf32>
    %dot_general3A_36 = arith.constant dense<0.000000e+00> : vector<1000x1xf32>
    %dot_general3A_37 = tpu.matmul %max3A_32, %get3A_35, %dot_general3A_36 {dimension_numbers = #tpu.dot_dimension_numbers<[1], [0], [0], [1], [0, 0, 1, 1], [], []>, transpose_lhs_hint = false} : vector<1000x128xf32>, vector<128x1xf32>, vector<1000x1xf32> -> vector<1000x1xf32>
    %get3A_38 = arith.constant 0 : index
    %get3A_39 = arith.constant 0 : index
    %get3A_40 = vector.load %arg9[%get3A_38, %get3A_39] : memref<1x1xf32, #tpu.memory_space<vmem>>, vector<1x1xf32>
    %add3A_41 = vector.broadcast %get3A_40 : vector<1x1xf32> to vector<1000x1xf32>
    %add3A_42 = arith.addf %dot_general3A_37, %add3A_41 : vector<1000x1xf32>
    %max3A_43 = arith.constant 0.000000e+00 : f32
    %max3A_44 = vector.broadcast %max3A_43 : f32 to vector<1000x1xf32>
    %max3A_45 = arith.maximumf %add3A_42, %max3A_44 : vector<1000x1xf32>
    %swap3A = arith.constant 0 : index
    %swap3A_46 = arith.constant 0 : index
    %swap3A_47 = vector.load %arg10[%swap3A, %swap3A_46] : memref<1000x1xf32, #tpu.memory_space<vmem>>, vector<1000x1xf32>
    tpu.vector_store %arg10[%swap3A, %swap3A_46], %max3A_45 {strides = array<i32>} : memref<1000x1xf32, #tpu.memory_space<vmem>>, vector<1000x1xf32>,
    return
  }
  func.func @transform_0(%arg0: i32) -> (i32, i32) {
    %c0_i32 = arith.constant 0 : i32
    %c0_i32_0 = arith.constant 0 : i32
    return %arg0, %c0_i32 : i32, i32
  }
  func.func @transform_1(%arg0: i32) -> (i32, i32) {
    %c0_i32 = arith.constant 0 : i32
    %c0_i32_0 = arith.constant 0 : i32
    return %arg0, %c0_i32 : i32, i32
  }
  func.func @transform_2(%arg0: i32) -> (i32, i32) {
    %c0_i32 = arith.constant 0 : i32
    %c0_i32_0 = arith.constant 0 : i32
    return %arg0, %c0_i32 : i32, i32
  }
  func.func @transform_3(%arg0: i32) -> (i32, i32) {
    %c0_i32 = arith.constant 0 : i32
    %c0_i32_0 = arith.constant 0 : i32
    return %arg0, %c0_i32 : i32, i32
  }
  func.func @transform_4(%arg0: i32) -> (i32, i32) {
    %c0_i32 = arith.constant 0 : i32
    %c0_i32_0 = arith.constant 0 : i32
    %c0_i32_1 = arith.constant 0 : i32
    return %c0_i32, %c0_i32_0 : i32, i32
  }
  func.func @transform_5(%arg0: i32) -> (i32, i32) {
    %c0_i32 = arith.constant 0 : i32
    %c0_i32_0 = arith.constant 0 : i32
    %c0_i32_1 = arith.constant 0 : i32
    return %c0_i32, %c0_i32_0 : i32, i32
  }
  func.func @transform_6(%arg0: i32) -> (i32, i32) {
    %c0_i32 = arith.constant 0 : i32
    %c0_i32_0 = arith.constant 0 : i32
    %c0_i32_1 = arith.constant 0 : i32
    return %c0_i32, %c0_i32_0 : i32, i32
  }
  func.func @transform_7(%arg0: i32) -> (i32, i32) {
    %c0_i32 = arith.constant 0 : i32
    %c0_i32_0 = arith.constant 0 : i32
    %c0_i32_1 = arith.constant 0 : i32
    return %c0_i32, %c0_i32_0 : i32, i32
  }
  func.func @transform_8(%arg0: i32) -> (i32, i32) {
    %c0_i32 = arith.constant 0 : i32
    %c0_i32_0 = arith.constant 0 : i32
    %c0_i32_1 = arith.constant 0 : i32
    return %c0_i32, %c0_i32_0 : i32, i32
  }
  func.func @transform_9(%arg0: i32) -> (i32, i32) {
    %c0_i32 = arith.constant 0 : i32
    %c0_i32_0 = arith.constant 0 : i32
    return %arg0, %c0_i32 : i32, i32
  }
}

</mosaic_0001>

<sc_bundles>
// kernel: kernel.4.cloned.1.call-start
scs
__scs_entry_jumppad:
0x0: {  	(pc) =	sbr.rel $0x88, $3  }
0x1: {  	(tag) =	ssettag $0x0;
	lr =	simm.s32 $0x1  }
0x2: {  	[smem:$0x3F9B] =	sst lr;
	_ =	strace $0xD0000000  }
0x3: {  	_ = 	snop  }
0x4: {  	_ = 	snop  }
0x5: {  	_ = 	snop  }
0x6: {  	_ = 	snop  }
0x7: {  	_ = 	snop  }
__scs_overlays_trampoline_lowered:
0x8: {  	[smem:$0x3FAA] =	sst s0  }
0x9: {  	[smem:$0x3FAB] =	sst s1  }
0xa: {  	[smem:$0x3FAC] =	sst s2  }
0xb: {  	[smem:$0x3FAD] =	sst s3  }
0xc: {  	[smem:$0x3FAE] =	sst s4  }
0xd: {  	[smem:$0x3FAF] =	sst s5  }
0xe: {  	[smem:$0x3FB0] =	sst s6  }
0xf: {  	[smem:$0x3FB1] =	sst s7  }
0x10: {  	[smem:$0x3FB2] =	sst s8  }
0x11: {  	[smem:$0x3FB3] =	sst s9;
	s0 =	simm.s32 @!p0 $0x0  }
0x12: {  	s1 =	sld [smem:$0x3F99];
	s0 =	simm.s32 @p0 $0x1  }
0x13: {  	[smem:$0x3FB4] =	sst s0;
	s0 =	simm.s32 @!p1 $0x0  }
0x14: {  	s2 =	sld [smem:$0x3F98];
	s0 =	simm.s32 @p1 $0x1  }
0x15: {  	[smem:$0x3FB5] =	sst s0;
	s0 =	simm.s32 @!p2 $0x0  }
0x16: {  	s3 =	sld [smem:$0x3FDB];
	s0 =	simm.s32 @p2 $0x1  }
0x17: {  	s4 =	simm.s32 $0x1BF5;
	[smem:$0x3FB7] =	sst s0  }
0x18: {  	s0 =	sld [smem:$0x3F9A];
	_ =	swait.ge [sflag:s4], $0x0  }
0x19: {  	s7 =	sld [smem:$0x3F9B]  }
0x1a: {  	s8 =	sadd.s32 $0xFFFFE003, lr  }
0x1b: {  	s9 =	sadd.s32 $0xFFFFFEF7, lr;
	s5 =	simm.s32 $0xFFFFFFFF;
	p2 =	slt.u32 s8, $0xFFFFF086  }
0x1c: {  	p1 =	slt.u32 s9, $0xF7A;
	s5 =	simm.s32 @!p2 $0x0  }
0x1d: {  	s5 =	simm.s32 @p1 $0x1;
	p0 =	seq.s32 s7, s2  }
0x1e: {  	s7 =	smul.u32 @!p0 $0xF7A, s2;
	p2 =	seq.s32 @!p0 s5, $0x0  }
0x1f: {  	s9 =	smul.u32 $0xF7A, s1;
	s8 =	simm.s32 @!p0 $0x1BF5;
	p2 =	por !p2, p0  }
0x20: {  	[sflag:s8] =	ssyncset.s32 @!p0 $0xFFFFF086;
	s6 =	sadd.s32 @!p0 s3, s7;
	s7 =	simm.s32 @!p0 $0x108  }
0x21: {  	s3 =	sadd.s32 s3, s9;
	s6 =	sadd.s32 @!p0 $0x88, s6;
	s7 =	simm.s32 @p2 $0x1082  }
0x22: {  	[simem:s7], [sflag:s8] =	dma.local @!p0 [hbm:s6], $0xF7A  }
0x23: {  	s9 =	sor.u32 $0xD0000000, s2;
	s6 =	simm.s32 $0x108;
	_ =	swait.ge @!p0 [sflag:s8], $0x0  }
0x24: {  	s3 =	sadd.s32 $0x88, s3;
	s6 =	simm.s32 @!p1 $0x1082;
	[sflag:s4] =	ssyncset.s32 $0xFFFFF086  }
0x25: {  	[simem:s6], [sflag:s4] =	dma.local [hbm:s3], $0xF7A  }
0x26: {  	[smem:$0x3F9B] =	sst s1;
	(tag) =	ssettag s2;
	_ =	strace s9  }
0x27: {  	s1 =	sld [smem:$0x3FAB]  }
0x28: {  	s2 =	sld [smem:$0x3FAC]  }
0x29: {  	s4 =	sld [smem:$0x3FAE]  }
0x2a: {  	p0 =	seq.s32 s5, $0x0;
	s5 =	sld [smem:$0x3FAF]  }
0x2b: {  	s6 =	sld [smem:$0x3FB0]  }
0x2c: {  	s7 =	sld [smem:$0x3FB1]  }
0x2d: {  	s3 =	simm.s32 $0x108;
	s8 =	sld [smem:$0x3FB2]  }
0x2e: {  	s3 =	simm.s32 @!p0 $0x1082;
	s9 =	sld [smem:$0x3FB3]  }
0x2f: {  	lr =	sadd.s32 s0, s3;
	s0 =	sld [smem:$0x3FAA]  }
0x30: {  	s3 =	sld [smem:$0x3FAD]  }
0x31: {  	[smem:$0x3FB6] =	sst s10  }
0x32: {  	s10 =	sld [smem:$0x3FB4];
	_ =	sdelay $0x3  }
0x33: {  	p0 =	seq.s32 s10, $0x1;
	s10 =	sld [smem:$0x3FB6];
	_ =	sdelay $0x3  }
0x34: {  	[smem:$0x3FB6] =	sst s10  }
0x35: {  	s10 =	sld [smem:$0x3FB5];
	_ =	sdelay $0x3  }
0x36: {  	p1 =	seq.s32 s10, $0x1;
	s10 =	sld [smem:$0x3FB6];
	_ =	sdelay $0x3  }
0x37: {  	[smem:$0x3FB6] =	sst s10  }
0x38: {  	s10 =	sld [smem:$0x3FB7]  }
0x39: {  	_ = 	snop;
	(pc) =	sbr.ind lr, $3  }
0x3a: {  	_ = 	snop  }
0x3b: {  	_ = 	snop  }
0x3c: {  	p2 =	seq.s32 s10, $0x1;
	s10 =	sld [smem:$0x3FB6]  }
0x3d: {  	_ =	shalt  }
0x3e: {  	_ =	shalt  }
0x3f: {  	_ =	shalt  }
0x40: {  	_ =	shalt  }
0x41: {  	_ =	shalt  }
0x42: {  	_ =	shalt  }
0x43: {  	_ =	shalt  }
0x44: {  	_ =	shalt  }
0x45: {  	_ =	shalt  }
0x46: {  	_ =	shalt  }
0x47: {  	_ =	shalt  }
0x48: {  	_ =	shalt  }
0x49: {  	_ =	shalt  }
0x4a: {  	_ =	shalt  }
0x4b: {  	_ =	shalt  }
0x4c: {  	_ =	shalt  }
0x4d: {  	_ =	shalt  }
0x4e: {  	_ =	shalt  }
0x4f: {  	_ =	shalt  }
0x50: {  	_ =	shalt  }
0x51: {  	_ =	shalt  }
0x52: {  	_ =	shalt  }
0x53: {  	_ =	shalt  }
0x54: {  	_ =	shalt  }
0x55: {  	_ =	shalt  }
0x56: {  	_ =	shalt  }
0x57: {  	_ =	shalt  }
0x58: {  	_ =	shalt  }
0x59: {  	_ =	shalt  }
0x5a: {  	_ =	shalt  }
0x5b: {  	_ =	shalt  }
0x5c: {  	_ =	shalt  }
0x5d: {  	_ =	shalt  }
0x5e: {  	_ =	shalt  }
0x5f: {  	_ =	shalt  }
0x60: {  	_ =	shalt  }
0x61: {  	_ =	shalt  }
0x62: {  	_ =	shalt  }
0x63: {  	_ =	shalt  }
0x64: {  	_ =	shalt  }
0x65: {  	_ =	shalt  }
0x66: {  	_ =	shalt  }
0x67: {  	_ =	shalt  }
0x68: {  	_ =	shalt  }
0x69: {  	_ =	shalt  }
0x6a: {  	_ =	shalt  }
0x6b: {  	_ =	shalt  }
0x6c: {  	_ =	shalt  }
0x6d: {  	_ =	shalt  }
0x6e: {  	_ =	shalt  }
0x6f: {  	_ =	shalt  }
0x70: {  	_ =	shalt  }
0x71: {  	_ =	shalt  }
0x72: {  	_ =	shalt  }
0x73: {  	_ =	shalt  }
0x74: {  	_ =	shalt  }
0x75: {  	_ =	shalt  }
0x76: {  	_ =	shalt  }
0x77: {  	_ =	shalt  }
0x78: {  	_ =	shalt  }
0x79: {  	_ =	shalt  }
0x7a: {  	_ =	shalt  }
0x7b: {  	_ =	shalt  }
0x7c: {  	_ =	shalt  }
0x7d: {  	_ =	shalt  }
0x7e: {  	_ =	shalt  }
0x7f: {  	_ =	shalt  }
0x80: {  	_ =	shalt  }
0x81: {  	_ =	shalt  }
0x82: {  	_ =	shalt  }
0x83: {  	_ =	shalt  }
0x84: {  	_ =	shalt  }
0x85: {  	_ =	shalt  }
0x86: {  	_ =	shalt  }
0x87: {  	_ =	shalt  }
.Lfunc_end0:
.L_simem_size_0:
called_computation_lowered:
.L_overlay_start_0:
0x88: {  	s2 =	sld [smem:$0x3FD9]  }
0x89: {  	s3 =	sld [smem:$0x3FFE];
	_ =	sdelay $0x1  }
0x8a: {  	s1 =	srdreg.scid  }
0x8b: {  	s0 =	sand.u32 $0x1, s1  }
0x8c: {  	s17 =	sshll.u32 s0, $0xA;
	s2 =	sadd.s32 s3, s2  }
0x8d: {  	s2 =	sadd.s32 s2, s17  }
0x8e: {  	[smem:$0x3FC2] =	sst s2  }
0x8f: {  	_ = 	snop  }
0x90: {  	s2 =	sld [smem:$0x3FC9];
	(tm) =	ssettm $0x1  }
0x91: {  	s18 =	sld [smem:$0x3FFB];
	_ =	sdelay $0x3  }
0x92: {  	_ =	strace s18  }
0x93: {  	s3 =	sld [smem:$0x3FFC];
	_ =	sdelay $0x3  }
0x94: {  	_ =	strace s3  }
0x95: {  	s3 =	sld [smem:$0x3FFD];
	_ =	sdelay $0x3  }
0x96: {  	_ =	strace s3  }
0x97: {  	_ =	strace $0x8FFFFFFF  }
0x98: {  	s19 =	sld [smem:$0x3FDB];
	_ =	sdelay $0x1  }
0x99: {  	s4 =	simm.s32 $_scs_section_size  }
0x9a: {  	s5 =	simm.s32 $_size__tile_overlayer_lowered;
	s6 =	simm.s32 $_tile_overlayer_lowered  }
0x9b: {  	s22 =	simm.s32 $0x1BFF;
	s21 =	sshll.u32 s6, $0x1;
	s3 =	sadd.s32 s4, s19  }
0x9c: {  	s7 =	simm.s32 $0x0;
	s20 =	sshll.u32 s5, $0x1;
	s5 =	sadd.s32 s21, s3  }
0x9d: {  	[timem:s7], [sflag:s22] =	dma.local [hbm:s5], s20  }
0x9e: {  	_ =	swait.ge [sflag:s22], s20  }
0x9f: {  	s4 =	ssub.s32 $0x0, s20;
	[sflag:s22] =	ssyncset.done $0x0  }
0xa0: {  	[sflag:s22] =	ssyncadd.s32 s4;
	_ =	sdelay $0x1  }
0xa1: {  	s23 =	simm.s32 $0x1B8B  }
0xa2: {  	_ =	swait.ge [sflag:s23], $0x1  }
0xa3: {  	[sflag:s23] =	ssyncset.done $0x0  }
0xa4: {  	s25 =	simm.s32 $0x1B8E;
	s24 =	sld [smem:$0x3FFE];
	[sflag:s23] =	ssyncadd.s32 $0xFFFFFFFF  }
0xa5: {  	s26 =	simm.s32 $execute0_lowered;
	[smem:$0x3FD2] =	sst s25  }
0xa6: {  	s5 =	sshll.u32 s26, $0x1;
	_ =	strace $0x80000046;
	[dreg:$0x1] =	wrdreg $0xFFFFFFFF  }
0xa7: {  	s28 =	simm.s32 $_size_execute0_lowered;
	s3 =	sadd.s32 s3, s5;
	[dreg:$0x0] =	wrdreg $0x0  }
0xa8: {  	s5 =	sshll.u32 s28, $0x1;
	[dreg:$0x2] =	wrdreg s3  }
0xa9: {  	[dreg:$0x3] =	wrdreg s5  }
0xaa: {  	[dreg:$0x4] =	wrdreg $0xC0  }
0xab: {  	_ =	task [dreg:s7], $0x5FFFF  }
0xac: {  	[dreg:$0x1] =	wrdreg $0xFFFFFFFF  }
0xad: {  	[dreg:$0x0] =	wrdreg $0x60  }
0xae: {  	[dreg:$0x2] =	wrdreg s24  }
0xaf: {  	[dreg:$0x3] =	wrdreg s2  }
0xb0: {  	[dreg:$0x4] =	wrdreg $0x6A000  }
0xb1: {  	[dreg:$0x5] =	wrdreg $0x9  }
0xb2: {  	_ =	task.clear_ibuf [dreg:s7], $0x6FFFF;
	_ =	strace $0x90000046  }
0xb3: {  	s29 =	simm.s32 $0x9;
	_ =	strace $0x80000048  }
0xb4: {  	_ =	swait.ge [sflag:s29], $0x1  }
0xb5: {  	[sflag:s29] =	ssyncadd.s32 $0xFFFFFFFF  }
0xb6: {  	_ =	strace $0x90000048  }
0xb7: {  	_ =	sfence  }
0xb8: {  	s30 =	sld [smem:$0x0];
	_ =	sdelay $0x2  }
0xb9: {  	s31 =	sshll.u32 s1, $0xD;
	s1 =	sshrl.u32 s1, $0x2  }
0xba: {  	s3 =	sand.u32 $0x4000, s31;
	s1 =	sadd.s32 s1, s30  }
0xbb: {  	s0 =	sor.u32 s3, s0;
	s1 =	sshll.u32 s1, $0x11  }
0xbc: {  	s0 =	sor.u32 s1, s0  }
0xbd: {  	s0 =	sadd.s32 $0x8F2B, s0  }
0xbe: {  	[sflag:s0] =	ssyncadd.remote.s32 $0x1  }
0xbf: {  	_ =	sfence.sel $0xFFFF  }
0xc0: {  	[dreg:$0x0] =	wrdreg $0xFFFFFFFF;
	(pc) =	sbr.abs _section_cstart, $3  }
0xc1: {  	[dreg:$0x1] =	wrdreg $0xFFFFFFFF  }
0xc2: {  	_ =	task.clear_ibuf [dreg:s7], $0x2FFFF;
	_ =	strace $0x9FFFFFFF  }
0xc3: {  	(tm) =	ssettm $0x7FFFFFFF  }
tec
execute0_lowered:
.L_overlay_start_1:
0x0: {  	(tag) =	ssettag $0x1  }
0x1: {  	s0 =	rddreg [dreg:$0x0]  }
0x2: {  	s2 =	rddreg [dreg:$0x1]  }
0x3: {  	s3 =	rddreg [dreg:$0x2];
	s1 =	stileid.u32  }
0x4: {  	s4 =	simm.s32 $0x0;
	s6 =	srdreg.scid;
	s19 =	simm.s32 $0x200  }
0x5: {  	s20 =	simm.s32 $0x5;
	s21 =	simm.s32 $0x80;
	s22 =	simm.s32 $0x100  }
0x6: {  	s23 =	simm.s32 $0x2;
	s28 =	simm.s32 $0x4;
	s29 =	simm.s32 $0x1  }
0x7: {  	s30 =	simm.s32 $0x0;
	s5 =	smul.u32 $0x13C0, s1;
	[smem:$0x7FF] =	sst s4  }
0x8: {  	s7 =	smul.u32 $0x280, s1;
	s13 =	sand.u32 $0x1, s6;
	s8 =	sshll.u32 s1, $0x1  }
0x9: {  	_ =	strace $0x80000047;
	s6 =	smul.u32 $0x2800, s13;
	s8 =	sor.u32 s13, s8  }
0xa: {  	s25 =	ssub.s32 $0x2, s13;
	s31 =	smul.u32 $0x9E0, s13;
	s18 =	sadd.s32 s5, s0  }
0xb: {  	s5 =	sadd.s32 $0x15600, s0;
	s9 =	sshrl.u32 s7, $0x3;
	s24 =	smul.u32 $0x500, s8  }
0xc: {  	s26 =	sshrl.u32 s25, $0x1;
	s6 =	sadd.s32 s7, s6;
	s10 =	sadd.s32 s9, s0  }
0xd: {  	s17 =	ssub.s32 s25, s26;
	s25 =	simm.s32 $0x3;
	s26 =	simm.s32 $0x180  }
0xe: {  	s6 =	sshll.u32 s6, $0x4;
	s7 =	sadd.s32 $0x15010, s10;
	s8 =	sadd.s32 $0x15020, s10  }
0xf: {  	s9 =	sadd.s32 $0x15030, s10;
	s17 =	smax.u32 s17, $0x1;
	s16 =	sadd.s32 s6, s0  }
0x10: {  	s0 =	sadd.s32 s24, s0;
	s6 =	sadd.s32 $0x15000, s10;
	s10 =	sadd.s32 $0x15040, s10  }
0x11: {  	s24 =	simm.s32 $0x4200;
	s11 =	sadd.s32 $0x65E00, s0;
	s12 =	sadd.s32 $0x15E00, s16  }
0x12: {  	s13 =	sadd.s32 $0x16600, s16;
	s14 =	sadd.s32 $0x16E00, s16;
	s0 =	sadd.s32 s31, s18  }
0x13: {  	v0 =	vimm.f32 $0.0e+00;
	v1 =	vimm.f32 $1.000000000e+00;
	s15 =	sadd.s32 $0x17600, s16;
	s16 =	sadd.s32 $0x17E00, s16;
	s18 =	sadd.s32 $0x1400, s0  }
.LBB2_1:
0x14: {  	s31 =	simm.s32 $0x40;
	s0 =	simm.s32 $0x0  }
.LBB2_2:
0x15: {  	p0 =	sne.s32 s31, $0x9FC0;
	[tilespmem:s0+$0x4200] =	vst v0;
	s0 =	smov.u32 s31;
	s31 =	sadd.s32 $0x40, s31  }
.Ltmp0:
0x16: {  	(pc) =	sbr.rel @p0 .LBB2_2-.Ltmp0, $2  }
0x17: {  	_ =	sdelay $0x2  }
0x18: {  	s0 =	sshra.s32 s0, $0x2  }
0x19: {  	[tilespmem:s0+$0x4200] =	vst v0;
	s31 =	simm.s32 $0x0  }
0x1a: {  	[tilespmem:s19], [sflag:$0x5] =	stream.linear.gather [hbm4b:s5+s31], $0x4000, $0x38;
	[tilespmem:$0x1AA00] =	vst v63  }
0x1b: {  	_ =	swait.ge [sflag:s20], $0x4000  }
0x1c: {  	[sflag:s20] =	ssyncset.done $0x0  }
0x1d: {  	[sflag:s20] =	ssyncadd.s32 $0xFFFFC000  }
0x1e: {  	[tilespmem:s21], [sflag:$0x5] =	stream.linear.gather [hbm4b:s6+s31], $0x80, $0x38;
	[tilespmem:$0x1AA00] =	vst v63  }
0x1f: {  	_ =	swait.ge [sflag:s20], $0x80  }
0x20: {  	[sflag:s20] =	ssyncset.done $0x0  }
0x21: {  	[sflag:s20] =	ssyncadd.s32 $0xFFFFFF80  }
0x22: {  	[spmem:s3] =	stream.indirect.scatter [tilespmem:s19], [sflag:$0x5], $0x80, s21, s21, $0xb8;
	[tilespmem:$0x1AA00] =	vst v63  }
0x23: {  	_ =	swait.ge [sflag:s20], $0x4000  }
0x24: {  	[sflag:s20] =	ssyncset.done $0x0  }
0x25: {  	[sflag:s20] =	ssyncadd.s32 $0xFFFFC000  }
0x26: {  	[tilespmem:s21], [sflag:$0x5] =	stream.linear.gather [hbm4b:s7+s31], $0x80, $0x38;
	[tilespmem:$0x1AA00] =	vst v63  }
0x27: {  	_ =	swait.ge [sflag:s20], $0x80  }
0x28: {  	[sflag:s20] =	ssyncset.done $0x0  }
0x29: {  	[sflag:s20] =	ssyncadd.s32 $0xFFFFFF80  }
0x2a: {  	[spmem:s3] =	stream.indirect.scatter [tilespmem:s19], [sflag:$0x5], $0x80, s21, s21, $0xb8;
	[tilespmem:$0x1AA00] =	vst v63  }
0x2b: {  	_ =	swait.ge [sflag:s20], $0x4000  }
0x2c: {  	[sflag:s20] =	ssyncset.done $0x0  }
0x2d: {  	[sflag:s20] =	ssyncadd.s32 $0xFFFFC000  }
0x2e: {  	[tilespmem:s21], [sflag:$0x5] =	stream.linear.gather [hbm4b:s8+s31], $0x80, $0x38;
	[tilespmem:$0x1AA00] =	vst v63  }
0x2f: {  	_ =	swait.ge [sflag:s20], $0x80  }
0x30: {  	[sflag:s20] =	ssyncset.done $0x0  }
0x31: {  	[sflag:s20] =	ssyncadd.s32 $0xFFFFFF80  }
0x32: {  	[spmem:s3] =	stream.indirect.scatter [tilespmem:s19], [sflag:$0x5], $0x80, s21, s21, $0xb8;
	[tilespmem:$0x1AA00] =	vst v63  }
0x33: {  	_ =	swait.ge [sflag:s20], $0x4000  }
0x34: {  	[sflag:s20] =	ssyncset.done $0x0  }
0x35: {  	[sflag:s20] =	ssyncadd.s32 $0xFFFFC000  }
0x36: {  	[tilespmem:s21], [sflag:$0x5] =	stream.linear.gather [hbm4b:s9+s31], $0x80, $0x38;
	[tilespmem:$0x1AA00] =	vst v63  }
0x37: {  	_ =	swait.ge [sflag:s20], $0x80  }
0x38: {  	[sflag:s20] =	ssyncset.done $0x0  }
0x39: {  	[sflag:s20] =	ssyncadd.s32 $0xFFFFFF80  }
0x3a: {  	[spmem:s3] =	stream.indirect.scatter [tilespmem:s19], [sflag:$0x5], $0x80, s21, s21, $0xb8;
	[tilespmem:$0x1AA00] =	vst v63  }
0x3b: {  	_ =	swait.ge [sflag:s20], $0x4000  }
0x3c: {  	[sflag:s20] =	ssyncset.done $0x0  }
0x3d: {  	[sflag:s20] =	ssyncadd.s32 $0xFFFFC000  }
0x3e: {  	[tilespmem:s21], [sflag:$0x5] =	stream.linear.gather [hbm4b:s10+s31], $0x80, $0x38;
	[tilespmem:$0x1AA00] =	vst v63  }
0x3f: {  	_ =	swait.ge [sflag:s20], $0x80  }
0x40: {  	[sflag:s20] =	ssyncset.done $0x0  }
0x41: {  	[sflag:s20] =	ssyncadd.s32 $0xFFFFFF80  }
0x42: {  	[spmem:s3] =	stream.indirect.scatter [tilespmem:s19], [sflag:$0x5], $0x80, s21, s21, $0xb8;
	[tilespmem:$0x1AA00] =	vst v63  }
0x43: {  	_ =	swait.ge [sflag:s20], $0x4000  }
0x44: {  	[sflag:s20] =	ssyncset.done $0x0  }
0x45: {  	[sflag:s20] =	ssyncadd.s32 $0xFFFFC000  }
0x46: {  	[bflag:$0x0] =	sbarrier.arrive $0xFFFF  }
.LBB2_4:
0x47: {  	s0 =	sadd.s32 s31, s18  }
0x48: {  	[tilespmem:s22], [sflag:$0x2] =	stream.linear.gather [hbm4b:s0+s4], $0x100, $0x38;
	[tilespmem:$0x1AA00] =	vst v63  }
0x49: {  	_ =	swait.ge [sflag:s23], $0x100  }
0x4a: {  	[sflag:s23] =	ssyncset.done $0x0  }
0x4b: {  	[sflag:s23] =	ssyncadd.s32 $0xFFFFFF00  }
0x4c: {  	[tilespmem:s19], [sflag:$0x3] =	stream.indirect.gather [hbm4b:s2+s21], $0x80, s22, s21, $0xb8;
	[tilespmem:$0x1AA00] =	vst v63  }
0x4d: {  	v2 =	vld [tilespmem:$0x180];
	_ =	sdelay $0x7  }
0x4e: {  	[tilespmem:v2+s24+$0x0] =	vst.idx.add.f32.msk $0xffff, v1  }
0x4f: {  	v2 =	vld [tilespmem:$0x190];
	_ =	sdelay $0x7  }
0x50: {  	[tilespmem:v2+s24+$0x0] =	vst.idx.add.f32.msk $0xffff, v1  }
0x51: {  	v2 =	vld [tilespmem:$0x1A0];
	_ =	sdelay $0x7  }
0x52: {  	[tilespmem:v2+s24+$0x0] =	vst.idx.add.f32.msk $0xffff, v1  }
0x53: {  	v2 =	vld [tilespmem:$0x1B0];
	_ =	sdelay $0x7  }
0x54: {  	[tilespmem:v2+s24+$0x0] =	vst.idx.add.f32.msk $0xffff, v1  }
0x55: {  	v2 =	vld [tilespmem:$0x1C0];
	_ =	sdelay $0x7  }
0x56: {  	[tilespmem:v2+s24+$0x0] =	vst.idx.add.f32.msk $0xffff, v1  }
0x57: {  	v2 =	vld [tilespmem:$0x1D0];
	_ =	sdelay $0x7  }
0x58: {  	[tilespmem:v2+s24+$0x0] =	vst.idx.add.f32.msk $0xffff, v1  }
0x59: {  	v2 =	vld [tilespmem:$0x1E0];
	_ =	sdelay $0x7  }
0x5a: {  	[tilespmem:v2+s24+$0x0] =	vst.idx.add.f32.msk $0xffff, v1  }
0x5b: {  	v2 =	vld [tilespmem:$0x1F0];
	_ =	sdelay $0x7  }
0x5c: {  	[tilespmem:v2+s24+$0x0] =	vst.idx.add.f32.msk $0xffff, v1  }
0x5d: {  	_ =	swait.ge [sflag:s25], $0x4000  }
0x5e: {  	p0 =	sne.s32 s31, $0x9C0;
	[sflag:s25] =	ssyncset.done $0x0  }
.Ltmp1:
0x5f: {  	[sflag:s25] =	ssyncadd.s32 $0xFFFFC000;
	(pc) =	sbr.rel @p0 .LBB2_4-.Ltmp1, $4  }
0x60: {  	[spmem:s3] =	stream.indirect.scatter.add.f32 [tilespmem:s19], [sflag:$0x4], $0x80, s26, s21, $0xb8;
	[tilespmem:$0x1AA00] =	vst v63  }
0x61: {  	_ =	swait.ge [sflag:s28], $0x4000  }
0x62: {  	[sflag:s28] =	ssyncset.done $0x0  }
0x63: {  	s31 =	sadd.s32 $0x20, s31;
	[sflag:s28] =	ssyncadd.s32 $0xFFFFC000  }
0x64: {  	[bflag:$0x0] =	sbarrier.arrive $0xFFFF  }
0x65: {  	[hbm4b:s11+s4] =	stream.linear.scatter [tilespmem:s24], [sflag:$0x5], $0x2800, $0x38;
	[tilespmem:$0x1AA00] =	vst v63  }
0x66: {  	_ =	swait.ge [sflag:s20], $0x2800  }
0x67: {  	[sflag:s20] =	ssyncset.done $0x0  }
0x68: {  	[sflag:s20] =	ssyncadd.s32 $0xFFFFD800  }
0x69: {  	[tilespmem:s4], [sflag:$0x5] =	stream.linear.gather [hbm4b:s6+s4], $0x80, $0x38;
	[tilespmem:$0x1AA00] =	vst v63  }
0x6a: {  	_ =	swait.ge [sflag:s20], $0x80  }
0x6b: {  	[sflag:s20] =	ssyncset.done $0x0  }
0x6c: {  	[sflag:s20] =	ssyncadd.s32 $0xFFFFFF80  }
0x6d: {  	[tilespmem:s19], [sflag:$0x1] =	stream.indirect.gather [spmem:s3], $0x80, s4, s21, $0xb8;
	[tilespmem:$0x1AA00] =	vst v63  }
0x6e: {  	_ =	swait.ge [sflag:s29], $0x4000  }
0x6f: {  	[sflag:s29] =	ssyncset.done $0x0  }
0x70: {  	[sflag:s29] =	ssyncadd.s32 $0xFFFFC000  }
0x71: {  	[hbm4b:s12+s4] =	stream.linear.scatter [tilespmem:s19], [sflag:$0x5], $0x4000, $0x38;
	[tilespmem:$0x1AA00] =	vst v63  }
0x72: {  	_ =	swait.ge [sflag:s20], $0x4000  }
0x73: {  	[sflag:s20] =	ssyncset.done $0x0  }
0x74: {  	[sflag:s20] =	ssyncadd.s32 $0xFFFFC000  }
0x75: {  	[tilespmem:s4], [sflag:$0x5] =	stream.linear.gather [hbm4b:s7+s4], $0x80, $0x38;
	[tilespmem:$0x1AA00] =	vst v63  }
0x76: {  	_ =	swait.ge [sflag:s20], $0x80  }
0x77: {  	[sflag:s20] =	ssyncset.done $0x0  }
0x78: {  	[sflag:s20] =	ssyncadd.s32 $0xFFFFFF80  }
0x79: {  	[tilespmem:s19], [sflag:$0x1] =	stream.indirect.gather [spmem:s3], $0x80, s4, s21, $0xb8;
	[tilespmem:$0x1AA00] =	vst v63  }
0x7a: {  	_ =	swait.ge [sflag:s29], $0x4000  }
0x7b: {  	[sflag:s29] =	ssyncset.done $0x0  }
0x7c: {  	[sflag:s29] =	ssyncadd.s32 $0xFFFFC000  }
0x7d: {  	[hbm4b:s13+s4] =	stream.linear.scatter [tilespmem:s19], [sflag:$0x5], $0x4000, $0x38;
	[tilespmem:$0x1AA00] =	vst v63  }
0x7e: {  	_ =	swait.ge [sflag:s20], $0x4000  }
0x7f: {  	[sflag:s20] =	ssyncset.done $0x0  }
0x80: {  	[sflag:s20] =	ssyncadd.s32 $0xFFFFC000  }
0x81: {  	[tilespmem:s4], [sflag:$0x5] =	stream.linear.gather [hbm4b:s8+s4], $0x80, $0x38;
	[tilespmem:$0x1AA00] =	vst v63  }
0x82: {  	_ =	swait.ge [sflag:s20], $0x80  }
0x83: {  	[sflag:s20] =	ssyncset.done $0x0  }
0x84: {  	[sflag:s20] =	ssyncadd.s32 $0xFFFFFF80  }
0x85: {  	[tilespmem:s19], [sflag:$0x1] =	stream.indirect.gather [spmem:s3], $0x80, s4, s21, $0xb8;
	[tilespmem:$0x1AA00] =	vst v63  }
0x86: {  	_ =	swait.ge [sflag:s29], $0x4000  }
0x87: {  	[sflag:s29] =	ssyncset.done $0x0  }
0x88: {  	[sflag:s29] =	ssyncadd.s32 $0xFFFFC000  }
0x89: {  	[hbm4b:s14+s4] =	stream.linear.scatter [tilespmem:s19], [sflag:$0x5], $0x4000, $0x38;
	[tilespmem:$0x1AA00] =	vst v63  }
0x8a: {  	_ =	swait.ge [sflag:s20], $0x4000  }
0x8b: {  	[sflag:s20] =	ssyncset.done $0x0  }
0x8c: {  	[sflag:s20] =	ssyncadd.s32 $0xFFFFC000  }
0x8d: {  	[tilespmem:s4], [sflag:$0x5] =	stream.linear.gather [hbm4b:s9+s4], $0x80, $0x38;
	[tilespmem:$0x1AA00] =	vst v63  }
0x8e: {  	_ =	swait.ge [sflag:s20], $0x80  }
0x8f: {  	[sflag:s20] =	ssyncset.done $0x0  }
0x90: {  	[sflag:s20] =	ssyncadd.s32 $0xFFFFFF80  }
0x91: {  	[tilespmem:s19], [sflag:$0x1] =	stream.indirect.gather [spmem:s3], $0x80, s4, s21, $0xb8;
	[tilespmem:$0x1AA00] =	vst v63  }
0x92: {  	_ =	swait.ge [sflag:s29], $0x4000  }
0x93: {  	[sflag:s29] =	ssyncset.done $0x0  }
0x94: {  	[sflag:s29] =	ssyncadd.s32 $0xFFFFC000  }
0x95: {  	[hbm4b:s15+s4] =	stream.linear.scatter [tilespmem:s19], [sflag:$0x5], $0x4000, $0x38;
	[tilespmem:$0x1AA00] =	vst v63  }
0x96: {  	_ =	swait.ge [sflag:s20], $0x4000  }
0x97: {  	[sflag:s20] =	ssyncset.done $0x0  }
0x98: {  	[sflag:s20] =	ssyncadd.s32 $0xFFFFC000  }
0x99: {  	[tilespmem:s4], [sflag:$0x5] =	stream.linear.gather [hbm4b:s10+s4], $0x80, $0x38;
	[tilespmem:$0x1AA00] =	vst v63  }
0x9a: {  	_ =	swait.ge [sflag:s20], $0x80  }
0x9b: {  	[sflag:s20] =	ssyncset.done $0x0  }
0x9c: {  	[sflag:s20] =	ssyncadd.s32 $0xFFFFFF80  }
0x9d: {  	[tilespmem:s19], [sflag:$0x1] =	stream.indirect.gather [spmem:s3], $0x80, s4, s21, $0xb8;
	[tilespmem:$0x1AA00] =	vst v63  }
0x9e: {  	s30 =	sadd.s32 $0x1, s30;
	_ =	swait.ge [sflag:s29], $0x4000  }
0x9f: {  	p0 =	sne.s32 s30, s17;
	[sflag:s29] =	ssyncset.done $0x0  }
.Ltmp2:
0xa0: {  	[sflag:s29] =	ssyncadd.s32 $0xFFFFC000;
	(pc) =	sbr.rel @p0 .LBB2_1-.Ltmp2, $4  }
0xa1: {  	[hbm4b:s16+s4] =	stream.linear.scatter [tilespmem:s19], [sflag:$0x5], $0x4000, $0x38;
	[tilespmem:$0x1AA00] =	vst v63  }
0xa2: {  	_ =	swait.ge [sflag:s20], $0x4000  }
0xa3: {  	[sflag:s20] =	ssyncset.done $0x0  }
0xa4: {  	[sflag:s20] =	ssyncadd.s32 $0xFFFFC000  }
0xa5: {  	_ =	sfence.sel $0x180000  }
0xa6: {  	[bflag:$0x0] =	sbarrier.arrive $0xFFFF  }
0xa7: {  	_ =	strace $0x90000047  }
0xa8: {  	[bflag:$0x2] =	sbarrier.arrive $0xFFFF  }
0xa9: {  	p0 =	sne.s32 s1, $0x0;
	s0 =	rddreg [dreg:$0x3]  }
0xaa: {  	s0 =	sadd.s32 @!p0 $0x100000, s0  }
0xab: {  	[sflag:s0] =	ssyncadd.tile.s32 @!p0 $0x1;
	_ =	shalt  }
.Lfunc_end2:
_tile_overlayer_lowered:
.L_overlay_start_2:
0xac: {  	(tag) =	ssettag $0x2  }
0xad: {  	s0 =	rddreg [dreg:$0x0];
	s2 =	stileid.u32  }
0xae: {  	s1 =	rddreg [dreg:$0x1];
	p0 =	sne.s32 s2, $0x0  }
0xaf: {  	s3 =	rddreg [dreg:$0x2];
	[bflag:$0x3] =	sbarrier.arrive $0xFFFF;
	s2 =	simm.s32 @!p0 $0x1C05  }
0xb0: {  	[timem:s3], [sflag:s2] =	dma.local @!p0 [hbm:s0], s1  }
0xb1: {  	s0 =	simm.s32 @!p0 $0x5  }
0xb2: {  	_ =	swait.ge @!p0 [sflag:s0], s1  }
0xb3: {  	s1 =	ssub.s32 @!p0 $0x0, s1;
	[sflag:s0] =	ssyncset.done @!p0 $0x0  }
0xb4: {  	[sflag:s0] =	ssyncadd.s32 @!p0 s1  }
0xb5: {  	[bflag:$0x3] =	sbarrier.arrive $0xFFFF  }
0xb6: {  	_ =	shalt  }

</sc_bundles>
